<compile_context>
chip_gen: v7x
topology: tpu7x:2x2x1
jax: 0.10.2.dev20260603
libtpu: 0.0.44.dev20260713+nightly
codegen_flags: <defaults>
</compile_context>

<pallas_src>
import functools

import jax
import jax.numpy as jnp
from jax import lax
from jax.experimental import pallas as pl
from jax.experimental.pallas import tpu as pltpu
from jax.experimental.pallas import tpu_sc as plsc

_NW = 32
_LANES = 16
_BLK = 128
_CBLK = 20


def _bc_f32(v):
    return plsc.bitcast(v, jnp.float32)


@jax.jit
def _sc_energy(packed, ei3, at3):
    n_nodes = packed.shape[0]
    n_blocks = ei3.shape[0]
    n_chunks = n_blocks // _CBLK
    mesh = plsc.VectorSubcoreMesh(core_axis_name="c", subcore_axis_name="s")

    @functools.partial(
        pl.kernel,
        mesh=mesh,
        out_type=jax.ShapeDtypeStruct((_NW * _LANES,), jnp.float32),
        compiler_params=pltpu.CompilerParams(needs_layout_passes=False),
        scratch_types=[
            pltpu.VMEM((n_nodes,), jnp.int32),
            pltpu.VMEM((2, _CBLK, 2, _BLK), jnp.int32),
            pltpu.VMEM((2, _CBLK, 2, _BLK), jnp.float32),
            pltpu.VMEM((_LANES,), jnp.float32),
            pltpu.SemaphoreType.DMA((2,)),
            pltpu.SemaphoreType.DMA,
        ],
    )
    def launch(packed_hbm, ei_hbm, at_hbm, out_hbm, table_v, ei_v, at_v,
               acc_v, sem, tsem):
        wid = lax.axis_index("s") * 2 + lax.axis_index("c")
        my_chunks = (n_chunks - wid + (_NW - 1)) // _NW

        def issue(t, slot):
            blk0 = (wid + t * _NW) * _CBLK
            pltpu.make_async_copy(ei_hbm.at[pl.ds(blk0, _CBLK)],
                                  ei_v.at[slot], sem.at[slot]).start()
            pltpu.make_async_copy(at_hbm.at[pl.ds(blk0, _CBLK)],
                                  at_v.at[slot], sem.at[slot]).start()

        tbl = pltpu.make_async_copy(packed_hbm, table_v, tsem)
        tbl.start()
        issue(0, 0)
        tbl.wait()

        def chunk_body(t, acc):
            slot = t & 1
            pltpu.make_async_copy(ei_hbm.at[pl.ds(0, _CBLK)],
                                  ei_v.at[slot], sem.at[slot]).wait()
            pltpu.make_async_copy(at_hbm.at[pl.ds(0, _CBLK)],
                                  at_v.at[slot], sem.at[slot]).wait()

            @pl.when(t + 1 < my_chunks)
            def _():
                issue(t + 1, 1 - slot)

            @plsc.parallel_loop(0, _CBLK * (_BLK // _LANES),
                                unroll=16, carry=acc)
            def inner(i, acc):
                b = i >> 3
                u = i & 7
                if True:
                    sl = pl.ds(u * _LANES, _LANES)
                    i0 = ei_v[slot, b, 0, sl]
                    i1 = ei_v[slot, b, 1, sl]
                    lv = at_v[slot, b, 0, sl]
                    kv = at_v[slot, b, 1, sl]
                    w0 = plsc.load_gather(table_v, [i0])
                    w1 = plsc.load_gather(table_v, [i1])
                    d = (plsc.bitcast(w0, jnp.bfloat16)
                         - plsc.bitcast(w1, jnp.bfloat16))
                    dx, dy = plsc.unpack(d, format=plsc.PackFormat.INTERLEAVED)
                    s = dx * dx + dy * dy
                    m = (jnp.int32(0x5F3759DF)
                         - (plsc.bitcast(s, jnp.int32) >> 1))
                    r = _bc_f32(m)
                    h = s * 0.5
                    r = r * (1.5008909 - h * r * r)
                    sq2 = (s + s) * r
                    e = kv * (s + lv * lv - sq2 * lv)
                    return acc + e

            return inner

        acc = lax.fori_loop(0, my_chunks, chunk_body,
                            jnp.zeros((_LANES,), jnp.float32))
        acc_v[...] = acc
        pltpu.sync_copy(acc_v, out_hbm.at[pl.ds(wid * _LANES, _LANES)])

    return launch(packed, ei3, at3)


def kernel(p, edge_index, edge_attr):
    n_edges = edge_index.shape[1]
    nb = n_edges // _BLK
    xb = lax.bitcast_convert_type(p[:, 0].astype(jnp.bfloat16), jnp.uint16)
    yb = lax.bitcast_convert_type(p[:, 1].astype(jnp.bfloat16), jnp.uint16)
    packed = lax.bitcast_convert_type(
        xb.astype(jnp.uint32) | (yb.astype(jnp.uint32) << 16), jnp.int32)
    ei3 = edge_index.astype(jnp.int32).reshape(2, nb, _BLK).transpose(1, 0, 2)
    at3 = edge_attr.reshape(nb, _BLK, 2).transpose(0, 2, 1)
    partial = _sc_energy(packed, ei3, at3)
    return 0.5 * jnp.sum(partial)

# --- scband reference (transcript-rebuilt; emitter-appended) ---
"""Pipeline reference for scband-energy-loss-vectorized-70875550319224 (READ-ONLY COPY).

The authoritative reference and input builder live on the scoring server;
editing this copy changes nothing except your own understanding.
"""

import jax, jax.numpy as jnp
import numpy as np

N_NODES = 100000
N_EDGES = 6400000


def setup_inputs(seed: int = 0) -> dict:
    key = jax.random.key(seed)
    k1, k2, k3 = jax.random.split(key, 3)
    p = jax.random.normal(k1, (N_NODES, 2), dtype=jnp.float32)
    edge_index = jax.random.randint(k2, (2, N_EDGES), 0, N_NODES, dtype=jnp.int64)
    edge_attr = jax.random.uniform(k3, (N_EDGES, 2), dtype=jnp.float32)
    return {"p": p, "edge_index": edge_index, "edge_attr": edge_attr}


def reference(p, edge_index, edge_attr):
    # node2edge: gather node positions at edge endpoints
    start = jnp.take(p, edge_index[0], axis=0)
    end = jnp.take(p, edge_index[1], axis=0)
    start_x = start[:, 0]
    start_y = start[:, 1]
    end_x = end[:, 0]
    end_y = end[:, 1]
    l = edge_attr[:, 0]
    k = edge_attr[:, 1]
    term1 = jnp.square(start_x - end_x)
    term2 = jnp.square(start_y - end_y)
    term3 = jnp.square(l)
    term4 = 2.0 * l * jnp.sqrt(jnp.abs(term1 + term2))
    energy = k / 2.0 * (term1 + term2 + term3 - term4)
    return energy.sum()

if __name__ == "__main__":
    import jax
    _d = setup_inputs()
    print(jax.jit(kernel)(*tuple(_d.values())))

</pallas_src>

<mosaic_0001>
#map = affine_map<(d0, d1) -> (0)>
#map1 = affine_map<(d0, d1) -> (0, 0, 0)>
module attributes {stable_mosaic.version = 14 : i64} {
  func.func @launch(%arg0: i32, %arg1: i32, %arg2: memref<100000xi32, #tpu.memory_space<hbm>>, %arg3: memref<50000x2x128xi32, #tpu.memory_space<hbm>>, %arg4: memref<50000x2x128xf32, #tpu.memory_space<hbm>>, %arg5: memref<512xf32, #tpu.memory_space<hbm>>, %arg6: memref<100000xi32, #tpu.memory_space<vmem>>, %arg7: memref<2x20x2x128xi32, #tpu.memory_space<vmem>>, %arg8: memref<2x20x2x128xf32, #tpu.memory_space<vmem>>, %arg9: memref<16xf32, #tpu.memory_space<vmem>>, %arg10: memref<2x!tpu.dma_semaphore, #tpu.memory_space<semaphore_mem>>, %arg11: memref<!tpu.dma_semaphore, #tpu.memory_space<semaphore_mem>>) attributes {dimension_semantics = [#tpu.dimension_semantics<core_parallel>, #tpu.dimension_semantics<subcore_parallel>], iteration_bounds = array<i64: 2, 16>, scalar_prefetch = 0 : i64, scratch_operands = 6 : i64, tpu.core_type = #tpu.core_type<sc_vector_subcore>, window_params = [{transform_indices = #map}, {transform_indices = #map1}, {transform_indices = #map1}, {transform_indices = #map}]} {
    %mul3A = arith.constant 2 : i32
    %mul3A_0 = arith.muli %arg1, %mul3A : i32
    %add3A = arith.addi %mul3A_0, %arg0 : i32
    %sub3A = arith.constant 2500 : i32
    %sub3A_1 = arith.subi %sub3A, %add3A : i32
    %add3A_2 = arith.constant 31 : i32
    %add3A_3 = arith.addi %sub3A_1, %add3A_2 : i32
    %jit3A = arith.constant 32 : i32
    %div3A = arith.divsi %add3A_3, %jit3A : i32
    %sign3A = arith.constant 0 : i32
    %sign3A_4 = arith.cmpi sgt, %add3A_3, %sign3A : i32
    %sign3A_5 = arith.extui %sign3A_4 : i1 to i32
    %sign3A_6 = arith.constant 0 : i32
    %sign3A_7 = arith.cmpi slt, %add3A_3, %sign3A_6 : i32
    %sign3A_8 = arith.extui %sign3A_7 : i1 to i32
    %sign3A_9 = arith.subi %sign3A_5, %sign3A_8 : i32
    %sign3A_10 = arith.constant 0 : i32
    %sign3A_11 = arith.cmpi sgt, %jit3A, %sign3A_10 : i32
    %sign3A_12 = arith.extui %sign3A_11 : i1 to i32
    %sign3A_13 = arith.constant 0 : i32
    %sign3A_14 = arith.cmpi slt, %jit3A, %sign3A_13 : i32
    %sign3A_15 = arith.extui %sign3A_14 : i1 to i32
    %sign3A_16 = arith.subi %sign3A_12, %sign3A_15 : i32
    %ne3A = arith.cmpi ne, %sign3A_9, %sign3A_16 : i32
    %rem3A = arith.remsi %add3A_3, %jit3A : i32
    %ne3A_17 = arith.constant 0 : i32
    %ne3A_18 = arith.cmpi ne, %rem3A, %ne3A_17 : i32
    %and3A = arith.andi %ne3A, %ne3A_18 : i1
    %sub3A_19 = arith.constant 1 : i32
    %sub3A_20 = arith.subi %div3A, %sub3A_19 : i32
    %select_n3A = arith.select %and3A, %sub3A_20, %div3A : i32
    tpu.enqueue_dma source(%arg2 : memref<100000xi32, #tpu.memory_space<hbm>>) target(%arg6 : memref<100000xi32, #tpu.memory_space<vmem>>) target_semaphore(%arg11 : memref<!tpu.dma_semaphore, #tpu.memory_space<semaphore_mem>>)
    %add3A_21 = arith.constant 0 : i32
    %add3A_22 = arith.addi %add3A, %add3A_21 : i32
    %mul3A_23 = arith.constant 20 : i32
    %mul3A_24 = arith.muli %add3A_22, %mul3A_23 : i32
    %dma_start3A = arith.constant 0 : i32
    %dma_start3A_25 = arith.constant 0 : i32
    %dma_start3A_26 = arith.constant 0 : i32
    %dma_start3A_27 = arith.constant 0 : i32
    %dma_start3A_28 = arith.constant 0 : i32
    %dma_start3A_29 = tpu.memref_slice %arg7[%dma_start3A, %dma_start3A_26, %dma_start3A_27, %dma_start3A_28] : memref<2x20x2x128xi32, #tpu.memory_space<vmem>> -> memref<1x20x2x128xi32, #tpu.memory_space<vmem>>
    %dma_start3A_30 = tpu.memref_squeeze %dma_start3A_29 : memref<1x20x2x128xi32, #tpu.memory_space<vmem>> -> memref<20x2x128xi32, #tpu.memory_space<vmem>>
    %dma_start3A_31 = arith.constant 0 : i32
    %dma_start3A_32 = arith.constant 0 : i32
    %dma_start3A_33 = tpu.memref_slice %arg3[%mul3A_24, %dma_start3A_31, %dma_start3A_32] : memref<50000x2x128xi32, #tpu.memory_space<hbm>> -> memref<20x2x128xi32, #tpu.memory_space<hbm>>
    %dma_start3A_34 = tpu.memref_slice %arg10[%dma_start3A_25] : memref<2x!tpu.dma_semaphore, #tpu.memory_space<semaphore_mem>> -> memref<1x!tpu.dma_semaphore, #tpu.memory_space<semaphore_mem>>
    %dma_start3A_35 = tpu.memref_squeeze %dma_start3A_34 : memref<1x!tpu.dma_semaphore, #tpu.memory_space<semaphore_mem>> -> memref<!tpu.dma_semaphore, #tpu.memory_space<semaphore_mem>>
    %dma_start3A_36 = arith.constant 0 : i32
    %dma_start3A_37 = arith.constant 0 : i32
    %dma_start3A_38 = arith.constant 0 : i32
    %dma_start3A_39 = tpu.memref_slice %arg7[%dma_start3A, %dma_start3A_36, %dma_start3A_37, %dma_start3A_38] : memref<2x20x2x128xi32, #tpu.memory_space<vmem>> -> memref<1x20x2x128xi32, #tpu.memory_space<vmem>>
    %dma_start3A_40 = tpu.memref_squeeze %dma_start3A_39 : memref<1x20x2x128xi32, #tpu.memory_space<vmem>> -> memref<20x2x128xi32, #tpu.memory_space<vmem>>
    %dma_start3A_41 = arith.constant 0 : i32
    %dma_start3A_42 = arith.constant 0 : i32
    %dma_start3A_43 = tpu.memref_slice %arg3[%mul3A_24, %dma_start3A_41, %dma_start3A_42] : memref<50000x2x128xi32, #tpu.memory_space<hbm>> -> memref<20x2x128xi32, #tpu.memory_space<hbm>>
    tpu.enqueue_dma source(%dma_start3A_43 : memref<20x2x128xi32, #tpu.memory_space<hbm>>) target(%dma_start3A_40 : memref<20x2x128xi32, #tpu.memory_space<vmem>>) target_semaphore(%dma_start3A_35 : memref<!tpu.dma_semaphore, #tpu.memory_space<semaphore_mem>>)
    %dma_start3A_44 = arith.constant 0 : i32
    %dma_start3A_45 = arith.constant 0 : i32
    %dma_start3A_46 = arith.constant 0 : i32
    %dma_start3A_47 = arith.constant 0 : i32
    %dma_start3A_48 = arith.constant 0 : i32
    %dma_start3A_49 = tpu.memref_slice %arg8[%dma_start3A_44, %dma_start3A_46, %dma_start3A_47, %dma_start3A_48] : memref<2x20x2x128xf32, #tpu.memory_space<vmem>> -> memref<1x20x2x128xf32, #tpu.memory_space<vmem>>
    %dma_start3A_50 = tpu.memref_squeeze %dma_start3A_49 : memref<1x20x2x128xf32, #tpu.memory_space<vmem>> -> memref<20x2x128xf32, #tpu.memory_space<vmem>>
    %dma_start3A_51 = arith.constant 0 : i32
    %dma_start3A_52 = arith.constant 0 : i32
    %dma_start3A_53 = tpu.memref_slice %arg4[%mul3A_24, %dma_start3A_51, %dma_start3A_52] : memref<50000x2x128xf32, #tpu.memory_space<hbm>> -> memref<20x2x128xf32, #tpu.memory_space<hbm>>
    %dma_start3A_54 = tpu.memref_slice %arg10[%dma_start3A_45] : memref<2x!tpu.dma_semaphore, #tpu.memory_space<semaphore_mem>> -> memref<1x!tpu.dma_semaphore, #tpu.memory_space<semaphore_mem>>
    %dma_start3A_55 = tpu.memref_squeeze %dma_start3A_54 : memref<1x!tpu.dma_semaphore, #tpu.memory_space<semaphore_mem>> -> memref<!tpu.dma_semaphore, #tpu.memory_space<semaphore_mem>>
    %dma_start3A_56 = arith.constant 0 : i32
    %dma_start3A_57 = arith.constant 0 : i32
    %dma_start3A_58 = arith.constant 0 : i32
    %dma_start3A_59 = tpu.memref_slice %arg8[%dma_start3A_44, %dma_start3A_56, %dma_start3A_57, %dma_start3A_58] : memref<2x20x2x128xf32, #tpu.memory_space<vmem>> -> memref<1x20x2x128xf32, #tpu.memory_space<vmem>>
    %dma_start3A_60 = tpu.memref_squeeze %dma_start3A_59 : memref<1x20x2x128xf32, #tpu.memory_space<vmem>> -> memref<20x2x128xf32, #tpu.memory_space<vmem>>
    %dma_start3A_61 = arith.constant 0 : i32
    %dma_start3A_62 = arith.constant 0 : i32
    %dma_start3A_63 = tpu.memref_slice %arg4[%mul3A_24, %dma_start3A_61, %dma_start3A_62] : memref<50000x2x128xf32, #tpu.memory_space<hbm>> -> memref<20x2x128xf32, #tpu.memory_space<hbm>>
    tpu.enqueue_dma source(%dma_start3A_63 : memref<20x2x128xf32, #tpu.memory_space<hbm>>) target(%dma_start3A_60 : memref<20x2x128xf32, #tpu.memory_space<vmem>>) target_semaphore(%dma_start3A_55 : memref<!tpu.dma_semaphore, #tpu.memory_space<semaphore_mem>>)
    tpu.wait_dma2 semaphore(%arg11 : memref<!tpu.dma_semaphore, #tpu.memory_space<semaphore_mem>>) src(%arg2 : memref<100000xi32, #tpu.memory_space<hbm>>) dst(%arg6 : memref<100000xi32, #tpu.memory_space<vmem>>)
    %broadcast_in_dim3A = arith.constant 0.000000e+00 : f32
    %broadcast_in_dim3A_64 = vector.broadcast %broadcast_in_dim3A : f32 to vector<16xf32>
    %while3A = arith.constant 0 : i32
    %while3A_65 = arith.subi %select_n3A, %while3A : i32
    %while3A_66 = arith.addi %while3A, %while3A_65 : i32
    %while3A_67 = arith.constant 1 : i32
    %while3A_68 = arith.divsi %while3A_65, %while3A_67 : i32
    %while3A_69 = arith.muli %while3A_68, %while3A_67 : i32
    %while3A_70 = arith.addi %while3A, %while3A_69 : i32
    %while3A_71 = arith.constant 1 : i32
    %while3A_72 = scf.for %while3A_78 = %while3A to %while3A_70 step %while3A_71 iter_args(%while3A_79 = %broadcast_in_dim3A_64) -> (vector<16xf32>)  : i32 {
      %and3A_80 = arith.constant 1 : i32
      %and3A_81 = arith.andi %while3A_78, %and3A_80 : i32
      %dma_wait3A = arith.constant 0 : i32
      %dma_wait3A_82 = arith.constant 0 : i32
      %dma_wait3A_83 = arith.constant 0 : i32
      %dma_wait3A_84 = tpu.memref_slice %arg7[%and3A_81, %dma_wait3A, %dma_wait3A_82, %dma_wait3A_83] : memref<2x20x2x128xi32, #tpu.memory_space<vmem>> -> memref<1x20x2x128xi32, #tpu.memory_space<vmem>>
      %dma_wait3A_85 = tpu.memref_squeeze %dma_wait3A_84 : memref<1x20x2x128xi32, #tpu.memory_space<vmem>> -> memref<20x2x128xi32, #tpu.memory_space<vmem>>
      %dma_wait3A_86 = arith.constant 0 : i32
      %dma_wait3A_87 = arith.constant 0 : i32
      %dma_wait3A_88 = arith.constant 0 : i32
      %dma_wait3A_89 = tpu.memref_slice %arg3[%dma_wait3A_86, %dma_wait3A_87, %dma_wait3A_88] : memref<50000x2x128xi32, #tpu.memory_space<hbm>> -> memref<20x2x128xi32, #tpu.memory_space<hbm>>
      %dma_wait3A_90 = tpu.memref_slice %arg10[%and3A_81] : memref<2x!tpu.dma_semaphore, #tpu.memory_space<semaphore_mem>> -> memref<1x!tpu.dma_semaphore, #tpu.memory_space<semaphore_mem>>
      %dma_wait3A_91 = tpu.memref_squeeze %dma_wait3A_90 : memref<1x!tpu.dma_semaphore, #tpu.memory_space<semaphore_mem>> -> memref<!tpu.dma_semaphore, #tpu.memory_space<semaphore_mem>>
      %dma_wait3A_92 = arith.constant 0 : i32
      %dma_wait3A_93 = arith.constant 0 : i32
      %dma_wait3A_94 = arith.constant 0 : i32
      %dma_wait3A_95 = tpu.memref_slice %arg7[%and3A_81, %dma_wait3A_92, %dma_wait3A_93, %dma_wait3A_94] : memref<2x20x2x128xi32, #tpu.memory_space<vmem>> -> memref<1x20x2x128xi32, #tpu.memory_space<vmem>>
      %dma_wait3A_96 = tpu.memref_squeeze %dma_wait3A_95 : memref<1x20x2x128xi32, #tpu.memory_space<vmem>> -> memref<20x2x128xi32, #tpu.memory_space<vmem>>
      %dma_wait3A_97 = arith.constant 0 : i32
      %dma_wait3A_98 = arith.constant 0 : i32
      %dma_wait3A_99 = arith.constant 0 : i32
      %dma_wait3A_100 = tpu.memref_slice %arg3[%dma_wait3A_97, %dma_wait3A_98, %dma_wait3A_99] : memref<50000x2x128xi32, #tpu.memory_space<hbm>> -> memref<20x2x128xi32, #tpu.memory_space<hbm>>
      tpu.wait_dma2 semaphore(%dma_wait3A_91 : memref<!tpu.dma_semaphore, #tpu.memory_space<semaphore_mem>>) src(%dma_wait3A_100 : memref<20x2x128xi32, #tpu.memory_space<hbm>>) dst(%dma_wait3A_96 : memref<20x2x128xi32, #tpu.memory_space<vmem>>)
      %dma_wait3A_101 = arith.constant 0 : i32
      %dma_wait3A_102 = arith.constant 0 : i32
      %dma_wait3A_103 = arith.constant 0 : i32
      %dma_wait3A_104 = tpu.memref_slice %arg8[%and3A_81, %dma_wait3A_101, %dma_wait3A_102, %dma_wait3A_103] : memref<2x20x2x128xf32, #tpu.memory_space<vmem>> -> memref<1x20x2x128xf32, #tpu.memory_space<vmem>>
      %dma_wait3A_105 = tpu.memref_squeeze %dma_wait3A_104 : memref<1x20x2x128xf32, #tpu.memory_space<vmem>> -> memref<20x2x128xf32, #tpu.memory_space<vmem>>
      %dma_wait3A_106 = arith.constant 0 : i32
      %dma_wait3A_107 = arith.constant 0 : i32
      %dma_wait3A_108 = arith.constant 0 : i32
      %dma_wait3A_109 = tpu.memref_slice %arg4[%dma_wait3A_106, %dma_wait3A_107, %dma_wait3A_108] : memref<50000x2x128xf32, #tpu.memory_space<hbm>> -> memref<20x2x128xf32, #tpu.memory_space<hbm>>
      %dma_wait3A_110 = tpu.memref_slice %arg10[%and3A_81] : memref<2x!tpu.dma_semaphore, #tpu.memory_space<semaphore_mem>> -> memref<1x!tpu.dma_semaphore, #tpu.memory_space<semaphore_mem>>
      %dma_wait3A_111 = tpu.memref_squeeze %dma_wait3A_110 : memref<1x!tpu.dma_semaphore, #tpu.memory_space<semaphore_mem>> -> memref<!tpu.dma_semaphore, #tpu.memory_space<semaphore_mem>>
      %dma_wait3A_112 = arith.constant 0 : i32
      %dma_wait3A_113 = arith.constant 0 : i32
      %dma_wait3A_114 = arith.constant 0 : i32
      %dma_wait3A_115 = tpu.memref_slice %arg8[%and3A_81, %dma_wait3A_112, %dma_wait3A_113, %dma_wait3A_114] : memref<2x20x2x128xf32, #tpu.memory_space<vmem>> -> memref<1x20x2x128xf32, #tpu.memory_space<vmem>>
      %dma_wait3A_116 = tpu.memref_squeeze %dma_wait3A_115 : memref<1x20x2x128xf32, #tpu.memory_space<vmem>> -> memref<20x2x128xf32, #tpu.memory_space<vmem>>
      %dma_wait3A_117 = arith.constant 0 : i32
      %dma_wait3A_118 = arith.constant 0 : i32
      %dma_wait3A_119 = arith.constant 0 : i32
      %dma_wait3A_120 = tpu.memref_slice %arg4[%dma_wait3A_117, %dma_wait3A_118, %dma_wait3A_119] : memref<50000x2x128xf32, #tpu.memory_space<hbm>> -> memref<20x2x128xf32, #tpu.memory_space<hbm>>
      tpu.wait_dma2 semaphore(%dma_wait3A_111 : memref<!tpu.dma_semaphore, #tpu.memory_space<semaphore_mem>>) src(%dma_wait3A_120 : memref<20x2x128xf32, #tpu.memory_space<hbm>>) dst(%dma_wait3A_116 : memref<20x2x128xf32, #tpu.memory_space<vmem>>)
      %add3A_121 = arith.constant 1 : i32
      %add3A_122 = arith.addi %while3A_78, %add3A_121 : i32
      %lt3A = arith.cmpi slt, %add3A_122, %select_n3A : i32
      %convert_element_type3A = arith.extui %lt3A : i1 to i32
      %cond3A = arith.constant 0 : i32
      %cond3A_123 = arith.cmpi ne, %convert_element_type3A, %cond3A : i32
      scf.if %cond3A_123 {
        %add3A_127 = arith.constant 1 : i32
        %add3A_128 = arith.addi %while3A_78, %add3A_127 : i32
        %sub3A_129 = arith.constant 1 : i32
        %sub3A_130 = arith.subi %sub3A_129, %and3A_81 : i32
        %mul3A_131 = arith.constant 32 : i32
        %mul3A_132 = arith.muli %add3A_128, %mul3A_131 : i32
        %add3A_133 = arith.addi %add3A, %mul3A_132 : i32
        %mul3A_134 = arith.constant 20 : i32
        %mul3A_135 = arith.muli %add3A_133, %mul3A_134 : i32
        %dma_start3A_136 = arith.constant 0 : i32
        %dma_start3A_137 = arith.constant 0 : i32
        %dma_start3A_138 = arith.constant 0 : i32
        %dma_start3A_139 = tpu.memref_slice %arg7[%sub3A_130, %dma_start3A_136, %dma_start3A_137, %dma_start3A_138] : memref<2x20x2x128xi32, #tpu.memory_space<vmem>> -> memref<1x20x2x128xi32, #tpu.memory_space<vmem>>
        %dma_start3A_140 = tpu.memref_squeeze %dma_start3A_139 : memref<1x20x2x128xi32, #tpu.memory_space<vmem>> -> memref<20x2x128xi32, #tpu.memory_space<vmem>>
        %dma_start3A_141 = arith.constant 0 : i32
        %dma_start3A_142 = arith.constant 0 : i32
        %dma_start3A_143 = tpu.memref_slice %arg3[%mul3A_135, %dma_start3A_141, %dma_start3A_142] : memref<50000x2x128xi32, #tpu.memory_space<hbm>> -> memref<20x2x128xi32, #tpu.memory_space<hbm>>
        %dma_start3A_144 = tpu.memref_slice %arg10[%sub3A_130] : memref<2x!tpu.dma_semaphore, #tpu.memory_space<semaphore_mem>> -> memref<1x!tpu.dma_semaphore, #tpu.memory_space<semaphore_mem>>
        %dma_start3A_145 = tpu.memref_squeeze %dma_start3A_144 : memref<1x!tpu.dma_semaphore, #tpu.memory_space<semaphore_mem>> -> memref<!tpu.dma_semaphore, #tpu.memory_space<semaphore_mem>>
        %dma_start3A_146 = arith.constant 0 : i32
        %dma_start3A_147 = arith.constant 0 : i32
        %dma_start3A_148 = arith.constant 0 : i32
        %dma_start3A_149 = tpu.memref_slice %arg7[%sub3A_130, %dma_start3A_146, %dma_start3A_147, %dma_start3A_148] : memref<2x20x2x128xi32, #tpu.memory_space<vmem>> -> memref<1x20x2x128xi32, #tpu.memory_space<vmem>>
        %dma_start3A_150 = tpu.memref_squeeze %dma_start3A_149 : memref<1x20x2x128xi32, #tpu.memory_space<vmem>> -> memref<20x2x128xi32, #tpu.memory_space<vmem>>
        %dma_start3A_151 = arith.constant 0 : i32
        %dma_start3A_152 = arith.constant 0 : i32
        %dma_start3A_153 = tpu.memref_slice %arg3[%mul3A_135, %dma_start3A_151, %dma_start3A_152] : memref<50000x2x128xi32, #tpu.memory_space<hbm>> -> memref<20x2x128xi32, #tpu.memory_space<hbm>>
        tpu.enqueue_dma source(%dma_start3A_153 : memref<20x2x128xi32, #tpu.memory_space<hbm>>) target(%dma_start3A_150 : memref<20x2x128xi32, #tpu.memory_space<vmem>>) target_semaphore(%dma_start3A_145 : memref<!tpu.dma_semaphore, #tpu.memory_space<semaphore_mem>>)
        %dma_start3A_154 = arith.constant 0 : i32
        %dma_start3A_155 = arith.constant 0 : i32
        %dma_start3A_156 = arith.constant 0 : i32
        %dma_start3A_157 = tpu.memref_slice %arg8[%sub3A_130, %dma_start3A_154, %dma_start3A_155, %dma_start3A_156] : memref<2x20x2x128xf32, #tpu.memory_space<vmem>> -> memref<1x20x2x128xf32, #tpu.memory_space<vmem>>
        %dma_start3A_158 = tpu.memref_squeeze %dma_start3A_157 : memref<1x20x2x128xf32, #tpu.memory_space<vmem>> -> memref<20x2x128xf32, #tpu.memory_space<vmem>>
        %dma_start3A_159 = arith.constant 0 : i32
        %dma_start3A_160 = arith.constant 0 : i32
        %dma_start3A_161 = tpu.memref_slice %arg4[%mul3A_135, %dma_start3A_159, %dma_start3A_160] : memref<50000x2x128xf32, #tpu.memory_space<hbm>> -> memref<20x2x128xf32, #tpu.memory_space<hbm>>
        %dma_start3A_162 = tpu.memref_slice %arg10[%sub3A_130] : memref<2x!tpu.dma_semaphore, #tpu.memory_space<semaphore_mem>> -> memref<1x!tpu.dma_semaphore, #tpu.memory_space<semaphore_mem>>
        %dma_start3A_163 = tpu.memref_squeeze %dma_start3A_162 : memref<1x!tpu.dma_semaphore, #tpu.memory_space<semaphore_mem>> -> memref<!tpu.dma_semaphore, #tpu.memory_space<semaphore_mem>>
        %dma_start3A_164 = arith.constant 0 : i32
        %dma_start3A_165 = arith.constant 0 : i32
        %dma_start3A_166 = arith.constant 0 : i32
        %dma_start3A_167 = tpu.memref_slice %arg8[%sub3A_130, %dma_start3A_164, %dma_start3A_165, %dma_start3A_166] : memref<2x20x2x128xf32, #tpu.memory_space<vmem>> -> memref<1x20x2x128xf32, #tpu.memory_space<vmem>>
        %dma_start3A_168 = tpu.memref_squeeze %dma_start3A_167 : memref<1x20x2x128xf32, #tpu.memory_space<vmem>> -> memref<20x2x128xf32, #tpu.memory_space<vmem>>
        %dma_start3A_169 = arith.constant 0 : i32
        %dma_start3A_170 = arith.constant 0 : i32
        %dma_start3A_171 = tpu.memref_slice %arg4[%mul3A_135, %dma_start3A_169, %dma_start3A_170] : memref<50000x2x128xf32, #tpu.memory_space<hbm>> -> memref<20x2x128xf32, #tpu.memory_space<hbm>>
        tpu.enqueue_dma source(%dma_start3A_171 : memref<20x2x128xf32, #tpu.memory_space<hbm>>) target(%dma_start3A_168 : memref<20x2x128xf32, #tpu.memory_space<vmem>>) target_semaphore(%dma_start3A_163 : memref<!tpu.dma_semaphore, #tpu.memory_space<semaphore_mem>>)
      } else {
      }
      %parallel_loop3A = arith.constant 0 : i32
      %parallel_loop3A_124 = arith.constant 160 : i32
      %parallel_loop3A_125 = arith.constant 1 : i32
      %parallel_loop3A_126 = scf.for %parallel_loop3A_127 = %parallel_loop3A to %parallel_loop3A_124 step %parallel_loop3A_125 iter_args(%parallel_loop3A_128 = %while3A_79) -> (vector<16xf32>)  : i32 {
        %parallel_loop3A_129 = arith.constant 3 : i32
        %parallel_loop3A_130 = arith.shrsi %parallel_loop3A_127, %parallel_loop3A_129 : i32
        %parallel_loop3A_131 = arith.constant 7 : i32
        %parallel_loop3A_132 = arith.andi %parallel_loop3A_127, %parallel_loop3A_131 : i32
        %parallel_loop3A_133 = arith.constant 16 : i32
        %parallel_loop3A_134 = arith.muli %parallel_loop3A_132, %parallel_loop3A_133 : i32
        %parallel_loop3A_135 = arith.constant 0 : i32
        %parallel_loop3A_136 = arith.index_cast %and3A_81 : i32 to index
        %parallel_loop3A_137 = arith.index_cast %parallel_loop3A_130 : i32 to index
        %parallel_loop3A_138 = arith.index_cast %parallel_loop3A_135 : i32 to index
        %parallel_loop3A_139 = arith.index_cast %parallel_loop3A_134 : i32 to index
        %parallel_loop3A_140 = tpu.vector_load %arg7[%parallel_loop3A_136, %parallel_loop3A_137, %parallel_loop3A_138, %parallel_loop3A_139] {strides = array<i32>} : memref<2x20x2x128xi32, #tpu.memory_space<vmem>>, vector<16xi32>,
        %parallel_loop3A_141 = arith.constant 1 : i32
        %parallel_loop3A_142 = arith.index_cast %and3A_81 : i32 to index
        %parallel_loop3A_143 = arith.index_cast %parallel_loop3A_130 : i32 to index
        %parallel_loop3A_144 = arith.index_cast %parallel_loop3A_141 : i32 to index
        %parallel_loop3A_145 = arith.index_cast %parallel_loop3A_134 : i32 to index
        %parallel_loop3A_146 = tpu.vector_load %arg7[%parallel_loop3A_142, %parallel_loop3A_143, %parallel_loop3A_144, %parallel_loop3A_145] {strides = array<i32>} : memref<2x20x2x128xi32, #tpu.memory_space<vmem>>, vector<16xi32>,
        %parallel_loop3A_147 = arith.constant 0 : i32
        %parallel_loop3A_148 = arith.index_cast %and3A_81 : i32 to index
        %parallel_loop3A_149 = arith.index_cast %parallel_loop3A_130 : i32 to index
        %parallel_loop3A_150 = arith.index_cast %parallel_loop3A_147 : i32 to index
        %parallel_loop3A_151 = arith.index_cast %parallel_loop3A_134 : i32 to index
        %parallel_loop3A_152 = tpu.vector_load %arg8[%parallel_loop3A_148, %parallel_loop3A_149, %parallel_loop3A_150, %parallel_loop3A_151] {strides = array<i32>} : memref<2x20x2x128xf32, #tpu.memory_space<vmem>>, vector<16xf32>,
        %parallel_loop3A_153 = arith.constant 1 : i32
        %parallel_loop3A_154 = arith.index_cast %and3A_81 : i32 to index
        %parallel_loop3A_155 = arith.index_cast %parallel_loop3A_130 : i32 to index
        %parallel_loop3A_156 = arith.index_cast %parallel_loop3A_153 : i32 to index
        %parallel_loop3A_157 = arith.index_cast %parallel_loop3A_134 : i32 to index
        %parallel_loop3A_158 = tpu.vector_load %arg8[%parallel_loop3A_154, %parallel_loop3A_155, %parallel_loop3A_156, %parallel_loop3A_157] {strides = array<i32>} : memref<2x20x2x128xf32, #tpu.memory_space<vmem>>, vector<16xf32>,
        %parallel_loop3A_159 = tpu.vector_load_idx %arg6[%parallel_loop3A_140] : memref<100000xi32, #tpu.memory_space<vmem>>[vector<16xi32>], vector<16xi32>,
        %parallel_loop3A_160 = tpu.vector_load_idx %arg6[%parallel_loop3A_146] : memref<100000xi32, #tpu.memory_space<vmem>>[vector<16xi32>], vector<16xi32>,
        %parallel_loop3A_161 = vector.bitcast %parallel_loop3A_159 : vector<16xi32> to vector<32xbf16>
        %parallel_loop3A_162 = vector.bitcast %parallel_loop3A_160 : vector<16xi32> to vector<32xbf16>
        %parallel_loop3A_163 = arith.subf %parallel_loop3A_161, %parallel_loop3A_162 : vector<32xbf16>
        %parallel_loop3A_164 = tpu.unpack_subelements %parallel_loop3A_163, 0 {pack_format = #tpu.pack_format<interleaved>} : vector<32xbf16> -> vector<16xf32>
        %parallel_loop3A_165 = tpu.unpack_subelements %parallel_loop3A_163, 1 {pack_format = #tpu.pack_format<interleaved>} : vector<32xbf16> -> vector<16xf32>
        %parallel_loop3A_166 = arith.mulf %parallel_loop3A_164, %parallel_loop3A_164 : vector<16xf32>
        %parallel_loop3A_167 = arith.mulf %parallel_loop3A_165, %parallel_loop3A_165 : vector<16xf32>
        %parallel_loop3A_168 = arith.addf %parallel_loop3A_166, %parallel_loop3A_167 : vector<16xf32>
        %parallel_loop3A_169 = vector.bitcast %parallel_loop3A_168 : vector<16xf32> to vector<16xi32>
        %parallel_loop3A_170 = arith.constant 1 : i32
        %parallel_loop3A_171 = vector.broadcast %parallel_loop3A_170 : i32 to vector<16xi32>
        %parallel_loop3A_172 = arith.shrsi %parallel_loop3A_169, %parallel_loop3A_171 : vector<16xi32>
        %parallel_loop3A_173 = arith.constant 1597463007 : i32
        %parallel_loop3A_174 = vector.broadcast %parallel_loop3A_173 : i32 to vector<16xi32>
        %parallel_loop3A_175 = arith.subi %parallel_loop3A_174, %parallel_loop3A_172 : vector<16xi32>
        %parallel_loop3A_176 = vector.bitcast %parallel_loop3A_175 : vector<16xi32> to vector<16xf32>
        %parallel_loop3A_177 = arith.constant 5.000000e-01 : f32
        %parallel_loop3A_178 = vector.broadcast %parallel_loop3A_177 : f32 to vector<16xf32>
        %parallel_loop3A_179 = arith.mulf %parallel_loop3A_168, %parallel_loop3A_178 : vector<16xf32>
        %parallel_loop3A_180 = arith.mulf %parallel_loop3A_179, %parallel_loop3A_176 : vector<16xf32>
        %parallel_loop3A_181 = arith.mulf %parallel_loop3A_180, %parallel_loop3A_176 : vector<16xf32>
        %parallel_loop3A_182 = arith.constant 1.50089085 : f32
        %parallel_loop3A_183 = vector.broadcast %parallel_loop3A_182 : f32 to vector<16xf32>
        %parallel_loop3A_184 = arith.subf %parallel_loop3A_183, %parallel_loop3A_181 : vector<16xf32>
        %parallel_loop3A_185 = arith.mulf %parallel_loop3A_176, %parallel_loop3A_184 : vector<16xf32>
        %parallel_loop3A_186 = arith.addf %parallel_loop3A_168, %parallel_loop3A_168 : vector<16xf32>
        %parallel_loop3A_187 = arith.mulf %parallel_loop3A_186, %parallel_loop3A_185 : vector<16xf32>
        %parallel_loop3A_188 = arith.mulf %parallel_loop3A_152, %parallel_loop3A_152 : vector<16xf32>
        %parallel_loop3A_189 = arith.addf %parallel_loop3A_168, %parallel_loop3A_188 : vector<16xf32>
        %parallel_loop3A_190 = arith.mulf %parallel_loop3A_187, %parallel_loop3A_152 : vector<16xf32>
        %parallel_loop3A_191 = arith.subf %parallel_loop3A_189, %parallel_loop3A_190 : vector<16xf32>
        %parallel_loop3A_192 = arith.mulf %parallel_loop3A_158, %parallel_loop3A_191 : vector<16xf32>
        %parallel_loop3A_193 = arith.addf %parallel_loop3A_128, %parallel_loop3A_192 : vector<16xf32>
        scf.yield %parallel_loop3A_193 : vector<16xf32>
      } {sc.loop_unroll_factor = 16 : i64, sc.parallel_access}
      scf.yield %parallel_loop3A_126 : vector<16xf32>
    }
    %while3A_73 = arith.constant 1 : i32
    %while3A_74 = scf.for %while3A_78 = %while3A_70 to %while3A_66 step %while3A_73 iter_args(%while3A_79 = %while3A_72) -> (vector<16xf32>)  : i32 {
      %and3A_80 = arith.constant 1 : i32
      %and3A_81 = arith.andi %while3A_78, %and3A_80 : i32
      %dma_wait3A = arith.constant 0 : i32
      %dma_wait3A_82 = arith.constant 0 : i32
      %dma_wait3A_83 = arith.constant 0 : i32
      %dma_wait3A_84 = tpu.memref_slice %arg7[%and3A_81, %dma_wait3A, %dma_wait3A_82, %dma_wait3A_83] : memref<2x20x2x128xi32, #tpu.memory_space<vmem>> -> memref<1x20x2x128xi32, #tpu.memory_space<vmem>>
      %dma_wait3A_85 = tpu.memref_squeeze %dma_wait3A_84 : memref<1x20x2x128xi32, #tpu.memory_space<vmem>> -> memref<20x2x128xi32, #tpu.memory_space<vmem>>
      %dma_wait3A_86 = arith.constant 0 : i32
      %dma_wait3A_87 = arith.constant 0 : i32
      %dma_wait3A_88 = arith.constant 0 : i32
      %dma_wait3A_89 = tpu.memref_slice %arg3[%dma_wait3A_86, %dma_wait3A_87, %dma_wait3A_88] : memref<50000x2x128xi32, #tpu.memory_space<hbm>> -> memref<20x2x128xi32, #tpu.memory_space<hbm>>
      %dma_wait3A_90 = tpu.memref_slice %arg10[%and3A_81] : memref<2x!tpu.dma_semaphore, #tpu.memory_space<semaphore_mem>> -> memref<1x!tpu.dma_semaphore, #tpu.memory_space<semaphore_mem>>
      %dma_wait3A_91 = tpu.memref_squeeze %dma_wait3A_90 : memref<1x!tpu.dma_semaphore, #tpu.memory_space<semaphore_mem>> -> memref<!tpu.dma_semaphore, #tpu.memory_space<semaphore_mem>>
      %dma_wait3A_92 = arith.constant 0 : i32
      %dma_wait3A_93 = arith.constant 0 : i32
      %dma_wait3A_94 = arith.constant 0 : i32
      %dma_wait3A_95 = tpu.memref_slice %arg7[%and3A_81, %dma_wait3A_92, %dma_wait3A_93, %dma_wait3A_94] : memref<2x20x2x128xi32, #tpu.memory_space<vmem>> -> memref<1x20x2x128xi32, #tpu.memory_space<vmem>>
      %dma_wait3A_96 = tpu.memref_squeeze %dma_wait3A_95 : memref<1x20x2x128xi32, #tpu.memory_space<vmem>> -> memref<20x2x128xi32, #tpu.memory_space<vmem>>
      %dma_wait3A_97 = arith.constant 0 : i32
      %dma_wait3A_98 = arith.constant 0 : i32
      %dma_wait3A_99 = arith.constant 0 : i32
      %dma_wait3A_100 = tpu.memref_slice %arg3[%dma_wait3A_97, %dma_wait3A_98, %dma_wait3A_99] : memref<50000x2x128xi32, #tpu.memory_space<hbm>> -> memref<20x2x128xi32, #tpu.memory_space<hbm>>
      tpu.wait_dma2 semaphore(%dma_wait3A_91 : memref<!tpu.dma_semaphore, #tpu.memory_space<semaphore_mem>>) src(%dma_wait3A_100 : memref<20x2x128xi32, #tpu.memory_space<hbm>>) dst(%dma_wait3A_96 : memref<20x2x128xi32, #tpu.memory_space<vmem>>)
      %dma_wait3A_101 = arith.constant 0 : i32
      %dma_wait3A_102 = arith.constant 0 : i32
      %dma_wait3A_103 = arith.constant 0 : i32
      %dma_wait3A_104 = tpu.memref_slice %arg8[%and3A_81, %dma_wait3A_101, %dma_wait3A_102, %dma_wait3A_103] : memref<2x20x2x128xf32, #tpu.memory_space<vmem>> -> memref<1x20x2x128xf32, #tpu.memory_space<vmem>>
      %dma_wait3A_105 = tpu.memref_squeeze %dma_wait3A_104 : memref<1x20x2x128xf32, #tpu.memory_space<vmem>> -> memref<20x2x128xf32, #tpu.memory_space<vmem>>
      %dma_wait3A_106 = arith.constant 0 : i32
      %dma_wait3A_107 = arith.constant 0 : i32
      %dma_wait3A_108 = arith.constant 0 : i32
      %dma_wait3A_109 = tpu.memref_slice %arg4[%dma_wait3A_106, %dma_wait3A_107, %dma_wait3A_108] : memref<50000x2x128xf32, #tpu.memory_space<hbm>> -> memref<20x2x128xf32, #tpu.memory_space<hbm>>
      %dma_wait3A_110 = tpu.memref_slice %arg10[%and3A_81] : memref<2x!tpu.dma_semaphore, #tpu.memory_space<semaphore_mem>> -> memref<1x!tpu.dma_semaphore, #tpu.memory_space<semaphore_mem>>
      %dma_wait3A_111 = tpu.memref_squeeze %dma_wait3A_110 : memref<1x!tpu.dma_semaphore, #tpu.memory_space<semaphore_mem>> -> memref<!tpu.dma_semaphore, #tpu.memory_space<semaphore_mem>>
      %dma_wait3A_112 = arith.constant 0 : i32
      %dma_wait3A_113 = arith.constant 0 : i32
      %dma_wait3A_114 = arith.constant 0 : i32
      %dma_wait3A_115 = tpu.memref_slice %arg8[%and3A_81, %dma_wait3A_112, %dma_wait3A_113, %dma_wait3A_114] : memref<2x20x2x128xf32, #tpu.memory_space<vmem>> -> memref<1x20x2x128xf32, #tpu.memory_space<vmem>>
      %dma_wait3A_116 = tpu.memref_squeeze %dma_wait3A_115 : memref<1x20x2x128xf32, #tpu.memory_space<vmem>> -> memref<20x2x128xf32, #tpu.memory_space<vmem>>
      %dma_wait3A_117 = arith.constant 0 : i32
      %dma_wait3A_118 = arith.constant 0 : i32
      %dma_wait3A_119 = arith.constant 0 : i32
      %dma_wait3A_120 = tpu.memref_slice %arg4[%dma_wait3A_117, %dma_wait3A_118, %dma_wait3A_119] : memref<50000x2x128xf32, #tpu.memory_space<hbm>> -> memref<20x2x128xf32, #tpu.memory_space<hbm>>
      tpu.wait_dma2 semaphore(%dma_wait3A_111 : memref<!tpu.dma_semaphore, #tpu.memory_space<semaphore_mem>>) src(%dma_wait3A_120 : memref<20x2x128xf32, #tpu.memory_space<hbm>>) dst(%dma_wait3A_116 : memref<20x2x128xf32, #tpu.memory_space<vmem>>)
      %add3A_121 = arith.constant 1 : i32
      %add3A_122 = arith.addi %while3A_78, %add3A_121 : i32
      %lt3A = arith.cmpi slt, %add3A_122, %select_n3A : i32
      %convert_element_type3A = arith.extui %lt3A : i1 to i32
      %cond3A = arith.constant 0 : i32
      %cond3A_123 = arith.cmpi ne, %convert_element_type3A, %cond3A : i32
      scf.if %cond3A_123 {
        %add3A_127 = arith.constant 1 : i32
        %add3A_128 = arith.addi %while3A_78, %add3A_127 : i32
        %sub3A_129 = arith.constant 1 : i32
        %sub3A_130 = arith.subi %sub3A_129, %and3A_81 : i32
        %mul3A_131 = arith.constant 32 : i32
        %mul3A_132 = arith.muli %add3A_128, %mul3A_131 : i32
        %add3A_133 = arith.addi %add3A, %mul3A_132 : i32
        %mul3A_134 = arith.constant 20 : i32
        %mul3A_135 = arith.muli %add3A_133, %mul3A_134 : i32
        %dma_start3A_136 = arith.constant 0 : i32
        %dma_start3A_137 = arith.constant 0 : i32
        %dma_start3A_138 = arith.constant 0 : i32
        %dma_start3A_139 = tpu.memref_slice %arg7[%sub3A_130, %dma_start3A_136, %dma_start3A_137, %dma_start3A_138] : memref<2x20x2x128xi32, #tpu.memory_space<vmem>> -> memref<1x20x2x128xi32, #tpu.memory_space<vmem>>
        %dma_start3A_140 = tpu.memref_squeeze %dma_start3A_139 : memref<1x20x2x128xi32, #tpu.memory_space<vmem>> -> memref<20x2x128xi32, #tpu.memory_space<vmem>>
        %dma_start3A_141 = arith.constant 0 : i32
        %dma_start3A_142 = arith.constant 0 : i32
        %dma_start3A_143 = tpu.memref_slice %arg3[%mul3A_135, %dma_start3A_141, %dma_start3A_142] : memref<50000x2x128xi32, #tpu.memory_space<hbm>> -> memref<20x2x128xi32, #tpu.memory_space<hbm>>
        %dma_start3A_144 = tpu.memref_slice %arg10[%sub3A_130] : memref<2x!tpu.dma_semaphore, #tpu.memory_space<semaphore_mem>> -> memref<1x!tpu.dma_semaphore, #tpu.memory_space<semaphore_mem>>
        %dma_start3A_145 = tpu.memref_squeeze %dma_start3A_144 : memref<1x!tpu.dma_semaphore, #tpu.memory_space<semaphore_mem>> -> memref<!tpu.dma_semaphore, #tpu.memory_space<semaphore_mem>>
        %dma_start3A_146 = arith.constant 0 : i32
        %dma_start3A_147 = arith.constant 0 : i32
        %dma_start3A_148 = arith.constant 0 : i32
        %dma_start3A_149 = tpu.memref_slice %arg7[%sub3A_130, %dma_start3A_146, %dma_start3A_147, %dma_start3A_148] : memref<2x20x2x128xi32, #tpu.memory_space<vmem>> -> memref<1x20x2x128xi32, #tpu.memory_space<vmem>>
        %dma_start3A_150 = tpu.memref_squeeze %dma_start3A_149 : memref<1x20x2x128xi32, #tpu.memory_space<vmem>> -> memref<20x2x128xi32, #tpu.memory_space<vmem>>
        %dma_start3A_151 = arith.constant 0 : i32
        %dma_start3A_152 = arith.constant 0 : i32
        %dma_start3A_153 = tpu.memref_slice %arg3[%mul3A_135, %dma_start3A_151, %dma_start3A_152] : memref<50000x2x128xi32, #tpu.memory_space<hbm>> -> memref<20x2x128xi32, #tpu.memory_space<hbm>>
        tpu.enqueue_dma source(%dma_start3A_153 : memref<20x2x128xi32, #tpu.memory_space<hbm>>) target(%dma_start3A_150 : memref<20x2x128xi32, #tpu.memory_space<vmem>>) target_semaphore(%dma_start3A_145 : memref<!tpu.dma_semaphore, #tpu.memory_space<semaphore_mem>>)
        %dma_start3A_154 = arith.constant 0 : i32
        %dma_start3A_155 = arith.constant 0 : i32
        %dma_start3A_156 = arith.constant 0 : i32
        %dma_start3A_157 = tpu.memref_slice %arg8[%sub3A_130, %dma_start3A_154, %dma_start3A_155, %dma_start3A_156] : memref<2x20x2x128xf32, #tpu.memory_space<vmem>> -> memref<1x20x2x128xf32, #tpu.memory_space<vmem>>
        %dma_start3A_158 = tpu.memref_squeeze %dma_start3A_157 : memref<1x20x2x128xf32, #tpu.memory_space<vmem>> -> memref<20x2x128xf32, #tpu.memory_space<vmem>>
        %dma_start3A_159 = arith.constant 0 : i32
        %dma_start3A_160 = arith.constant 0 : i32
        %dma_start3A_161 = tpu.memref_slice %arg4[%mul3A_135, %dma_start3A_159, %dma_start3A_160] : memref<50000x2x128xf32, #tpu.memory_space<hbm>> -> memref<20x2x128xf32, #tpu.memory_space<hbm>>
        %dma_start3A_162 = tpu.memref_slice %arg10[%sub3A_130] : memref<2x!tpu.dma_semaphore, #tpu.memory_space<semaphore_mem>> -> memref<1x!tpu.dma_semaphore, #tpu.memory_space<semaphore_mem>>
        %dma_start3A_163 = tpu.memref_squeeze %dma_start3A_162 : memref<1x!tpu.dma_semaphore, #tpu.memory_space<semaphore_mem>> -> memref<!tpu.dma_semaphore, #tpu.memory_space<semaphore_mem>>
        %dma_start3A_164 = arith.constant 0 : i32
        %dma_start3A_165 = arith.constant 0 : i32
        %dma_start3A_166 = arith.constant 0 : i32
        %dma_start3A_167 = tpu.memref_slice %arg8[%sub3A_130, %dma_start3A_164, %dma_start3A_165, %dma_start3A_166] : memref<2x20x2x128xf32, #tpu.memory_space<vmem>> -> memref<1x20x2x128xf32, #tpu.memory_space<vmem>>
        %dma_start3A_168 = tpu.memref_squeeze %dma_start3A_167 : memref<1x20x2x128xf32, #tpu.memory_space<vmem>> -> memref<20x2x128xf32, #tpu.memory_space<vmem>>
        %dma_start3A_169 = arith.constant 0 : i32
        %dma_start3A_170 = arith.constant 0 : i32
        %dma_start3A_171 = tpu.memref_slice %arg4[%mul3A_135, %dma_start3A_169, %dma_start3A_170] : memref<50000x2x128xf32, #tpu.memory_space<hbm>> -> memref<20x2x128xf32, #tpu.memory_space<hbm>>
        tpu.enqueue_dma source(%dma_start3A_171 : memref<20x2x128xf32, #tpu.memory_space<hbm>>) target(%dma_start3A_168 : memref<20x2x128xf32, #tpu.memory_space<vmem>>) target_semaphore(%dma_start3A_163 : memref<!tpu.dma_semaphore, #tpu.memory_space<semaphore_mem>>)
      } else {
      }
      %parallel_loop3A = arith.constant 0 : i32
      %parallel_loop3A_124 = arith.constant 160 : i32
      %parallel_loop3A_125 = arith.constant 1 : i32
      %parallel_loop3A_126 = scf.for %parallel_loop3A_127 = %parallel_loop3A to %parallel_loop3A_124 step %parallel_loop3A_125 iter_args(%parallel_loop3A_128 = %while3A_79) -> (vector<16xf32>)  : i32 {
        %parallel_loop3A_129 = arith.constant 3 : i32
        %parallel_loop3A_130 = arith.shrsi %parallel_loop3A_127, %parallel_loop3A_129 : i32
        %parallel_loop3A_131 = arith.constant 7 : i32
        %parallel_loop3A_132 = arith.andi %parallel_loop3A_127, %parallel_loop3A_131 : i32
        %parallel_loop3A_133 = arith.constant 16 : i32
        %parallel_loop3A_134 = arith.muli %parallel_loop3A_132, %parallel_loop3A_133 : i32
        %parallel_loop3A_135 = arith.constant 0 : i32
        %parallel_loop3A_136 = arith.index_cast %and3A_81 : i32 to index
        %parallel_loop3A_137 = arith.index_cast %parallel_loop3A_130 : i32 to index
        %parallel_loop3A_138 = arith.index_cast %parallel_loop3A_135 : i32 to index
        %parallel_loop3A_139 = arith.index_cast %parallel_loop3A_134 : i32 to index
        %parallel_loop3A_140 = tpu.vector_load %arg7[%parallel_loop3A_136, %parallel_loop3A_137, %parallel_loop3A_138, %parallel_loop3A_139] {strides = array<i32>} : memref<2x20x2x128xi32, #tpu.memory_space<vmem>>, vector<16xi32>,
        %parallel_loop3A_141 = arith.constant 1 : i32
        %parallel_loop3A_142 = arith.index_cast %and3A_81 : i32 to index
        %parallel_loop3A_143 = arith.index_cast %parallel_loop3A_130 : i32 to index
        %parallel_loop3A_144 = arith.index_cast %parallel_loop3A_141 : i32 to index
        %parallel_loop3A_145 = arith.index_cast %parallel_loop3A_134 : i32 to index
        %parallel_loop3A_146 = tpu.vector_load %arg7[%parallel_loop3A_142, %parallel_loop3A_143, %parallel_loop3A_144, %parallel_loop3A_145] {strides = array<i32>} : memref<2x20x2x128xi32, #tpu.memory_space<vmem>>, vector<16xi32>,
        %parallel_loop3A_147 = arith.constant 0 : i32
        %parallel_loop3A_148 = arith.index_cast %and3A_81 : i32 to index
        %parallel_loop3A_149 = arith.index_cast %parallel_loop3A_130 : i32 to index
        %parallel_loop3A_150 = arith.index_cast %parallel_loop3A_147 : i32 to index
        %parallel_loop3A_151 = arith.index_cast %parallel_loop3A_134 : i32 to index
        %parallel_loop3A_152 = tpu.vector_load %arg8[%parallel_loop3A_148, %parallel_loop3A_149, %parallel_loop3A_150, %parallel_loop3A_151] {strides = array<i32>} : memref<2x20x2x128xf32, #tpu.memory_space<vmem>>, vector<16xf32>,
        %parallel_loop3A_153 = arith.constant 1 : i32
        %parallel_loop3A_154 = arith.index_cast %and3A_81 : i32 to index
        %parallel_loop3A_155 = arith.index_cast %parallel_loop3A_130 : i32 to index
        %parallel_loop3A_156 = arith.index_cast %parallel_loop3A_153 : i32 to index
        %parallel_loop3A_157 = arith.index_cast %parallel_loop3A_134 : i32 to index
        %parallel_loop3A_158 = tpu.vector_load %arg8[%parallel_loop3A_154, %parallel_loop3A_155, %parallel_loop3A_156, %parallel_loop3A_157] {strides = array<i32>} : memref<2x20x2x128xf32, #tpu.memory_space<vmem>>, vector<16xf32>,
        %parallel_loop3A_159 = tpu.vector_load_idx %arg6[%parallel_loop3A_140] : memref<100000xi32, #tpu.memory_space<vmem>>[vector<16xi32>], vector<16xi32>,
        %parallel_loop3A_160 = tpu.vector_load_idx %arg6[%parallel_loop3A_146] : memref<100000xi32, #tpu.memory_space<vmem>>[vector<16xi32>], vector<16xi32>,
        %parallel_loop3A_161 = vector.bitcast %parallel_loop3A_159 : vector<16xi32> to vector<32xbf16>
        %parallel_loop3A_162 = vector.bitcast %parallel_loop3A_160 : vector<16xi32> to vector<32xbf16>
        %parallel_loop3A_163 = arith.subf %parallel_loop3A_161, %parallel_loop3A_162 : vector<32xbf16>
        %parallel_loop3A_164 = tpu.unpack_subelements %parallel_loop3A_163, 0 {pack_format = #tpu.pack_format<interleaved>} : vector<32xbf16> -> vector<16xf32>
        %parallel_loop3A_165 = tpu.unpack_subelements %parallel_loop3A_163, 1 {pack_format = #tpu.pack_format<interleaved>} : vector<32xbf16> -> vector<16xf32>
        %parallel_loop3A_166 = arith.mulf %parallel_loop3A_164, %parallel_loop3A_164 : vector<16xf32>
        %parallel_loop3A_167 = arith.mulf %parallel_loop3A_165, %parallel_loop3A_165 : vector<16xf32>
        %parallel_loop3A_168 = arith.addf %parallel_loop3A_166, %parallel_loop3A_167 : vector<16xf32>
        %parallel_loop3A_169 = vector.bitcast %parallel_loop3A_168 : vector<16xf32> to vector<16xi32>
        %parallel_loop3A_170 = arith.constant 1 : i32
        %parallel_loop3A_171 = vector.broadcast %parallel_loop3A_170 : i32 to vector<16xi32>
        %parallel_loop3A_172 = arith.shrsi %parallel_loop3A_169, %parallel_loop3A_171 : vector<16xi32>
        %parallel_loop3A_173 = arith.constant 1597463007 : i32
        %parallel_loop3A_174 = vector.broadcast %parallel_loop3A_173 : i32 to vector<16xi32>
        %parallel_loop3A_175 = arith.subi %parallel_loop3A_174, %parallel_loop3A_172 : vector<16xi32>
        %parallel_loop3A_176 = vector.bitcast %parallel_loop3A_175 : vector<16xi32> to vector<16xf32>
        %parallel_loop3A_177 = arith.constant 5.000000e-01 : f32
        %parallel_loop3A_178 = vector.broadcast %parallel_loop3A_177 : f32 to vector<16xf32>
        %parallel_loop3A_179 = arith.mulf %parallel_loop3A_168, %parallel_loop3A_178 : vector<16xf32>
        %parallel_loop3A_180 = arith.mulf %parallel_loop3A_179, %parallel_loop3A_176 : vector<16xf32>
        %parallel_loop3A_181 = arith.mulf %parallel_loop3A_180, %parallel_loop3A_176 : vector<16xf32>
        %parallel_loop3A_182 = arith.constant 1.50089085 : f32
        %parallel_loop3A_183 = vector.broadcast %parallel_loop3A_182 : f32 to vector<16xf32>
        %parallel_loop3A_184 = arith.subf %parallel_loop3A_183, %parallel_loop3A_181 : vector<16xf32>
        %parallel_loop3A_185 = arith.mulf %parallel_loop3A_176, %parallel_loop3A_184 : vector<16xf32>
        %parallel_loop3A_186 = arith.addf %parallel_loop3A_168, %parallel_loop3A_168 : vector<16xf32>
        %parallel_loop3A_187 = arith.mulf %parallel_loop3A_186, %parallel_loop3A_185 : vector<16xf32>
        %parallel_loop3A_188 = arith.mulf %parallel_loop3A_152, %parallel_loop3A_152 : vector<16xf32>
        %parallel_loop3A_189 = arith.addf %parallel_loop3A_168, %parallel_loop3A_188 : vector<16xf32>
        %parallel_loop3A_190 = arith.mulf %parallel_loop3A_187, %parallel_loop3A_152 : vector<16xf32>
        %parallel_loop3A_191 = arith.subf %parallel_loop3A_189, %parallel_loop3A_190 : vector<16xf32>
        %parallel_loop3A_192 = arith.mulf %parallel_loop3A_158, %parallel_loop3A_191 : vector<16xf32>
        %parallel_loop3A_193 = arith.addf %parallel_loop3A_128, %parallel_loop3A_192 : vector<16xf32>
        scf.yield %parallel_loop3A_193 : vector<16xf32>
      } {sc.loop_unroll_factor = 16 : i64, sc.parallel_access}
      scf.yield %parallel_loop3A_126 : vector<16xf32>
    }
    %swap3A = arith.constant 0 : index
    %swap3A_75 = tpu.vector_load %arg9[%swap3A] {strides = array<i32>} : memref<16xf32, #tpu.memory_space<vmem>>, vector<16xf32>,
    tpu.vector_store %arg9[%swap3A], %while3A_74 {strides = array<i32>} : memref<16xf32, #tpu.memory_space<vmem>>, vector<16xf32>,
    %mul3A_76 = arith.constant 16 : i32
    %mul3A_77 = arith.muli %add3A, %mul3A_76 : i32
    "tpu.region"() ({
      %run_scoped3A = tpu.sem_alloc : memref<!tpu.dma_semaphore, #tpu.memory_space<semaphore_mem>>
      %dma_start3A_78 = tpu.memref_slice %arg5[%mul3A_77] : memref<512xf32, #tpu.memory_space<hbm>> -> memref<16xf32, #tpu.memory_space<hbm>>
      %dma_start3A_79 = tpu.memref_slice %arg5[%mul3A_77] : memref<512xf32, #tpu.memory_space<hbm>> -> memref<16xf32, #tpu.memory_space<hbm>>
      tpu.enqueue_dma source(%arg9 : memref<16xf32, #tpu.memory_space<vmem>>) target(%dma_start3A_79 : memref<16xf32, #tpu.memory_space<hbm>>) target_semaphore(%run_scoped3A : memref<!tpu.dma_semaphore, #tpu.memory_space<semaphore_mem>>)
      %dma_wait3A = tpu.memref_slice %arg5[%mul3A_77] : memref<512xf32, #tpu.memory_space<hbm>> -> memref<16xf32, #tpu.memory_space<hbm>>
      %dma_wait3A_80 = tpu.memref_slice %arg5[%mul3A_77] : memref<512xf32, #tpu.memory_space<hbm>> -> memref<16xf32, #tpu.memory_space<hbm>>
      tpu.wait_dma2 semaphore(%run_scoped3A : memref<!tpu.dma_semaphore, #tpu.memory_space<semaphore_mem>>) src(%arg9 : memref<16xf32, #tpu.memory_space<vmem>>) dst(%dma_wait3A_80 : memref<16xf32, #tpu.memory_space<hbm>>)
      tpu.yield
    }) : () -> ()
    return
  }
}

</mosaic_0001>

<sc_bundles>
// kernel: _sc_energy.3.cloned.1.call-start
scs
__scs_entry_jumppad:
0x0: {  	(pc) =	sbr.rel $0x88, $3  }
0x1: {  	(tag) =	ssettag $0x0;
	lr =	simm.s32 $0x1  }
0x2: {  	[smem:$0x3F9E] =	sst lr;
	_ =	strace $0xD0000000  }
0x3: {  	_ = 	snop  }
0x4: {  	_ = 	snop  }
0x5: {  	_ = 	snop  }
0x6: {  	_ = 	snop  }
0x7: {  	_ = 	snop  }
__scs_overlays_trampoline_lowered:
0x8: {  	[smem:$0x3FAD] =	sst s0  }
0x9: {  	[smem:$0x3FAE] =	sst s1  }
0xa: {  	[smem:$0x3FAF] =	sst s2  }
0xb: {  	[smem:$0x3FB0] =	sst s3  }
0xc: {  	[smem:$0x3FB1] =	sst s4  }
0xd: {  	[smem:$0x3FB2] =	sst s5  }
0xe: {  	[smem:$0x3FB3] =	sst s6  }
0xf: {  	[smem:$0x3FB4] =	sst s7  }
0x10: {  	[smem:$0x3FB5] =	sst s8  }
0x11: {  	[smem:$0x3FB6] =	sst s9;
	s0 =	simm.s32 @!p0 $0x0  }
0x12: {  	s1 =	sld [smem:$0x3F9C];
	s0 =	simm.s32 @p0 $0x1  }
0x13: {  	[smem:$0x3FB7] =	sst s0;
	s0 =	simm.s32 @!p1 $0x0  }
0x14: {  	s2 =	sld [smem:$0x3F9B];
	s0 =	simm.s32 @p1 $0x1  }
0x15: {  	[smem:$0x3FB8] =	sst s0;
	s0 =	simm.s32 @!p2 $0x0  }
0x16: {  	s3 =	sld [smem:$0x3FDB];
	s0 =	simm.s32 @p2 $0x1  }
0x17: {  	s4 =	simm.s32 $0x1BF5;
	[smem:$0x3FBA] =	sst s0  }
0x18: {  	s0 =	sld [smem:$0x3F9D];
	_ =	swait.ge [sflag:s4], $0x0  }
0x19: {  	s7 =	sld [smem:$0x3F9E]  }
0x1a: {  	s8 =	sadd.s32 $0xFFFFE003, lr  }
0x1b: {  	s9 =	sadd.s32 $0xFFFFFEF7, lr;
	s5 =	simm.s32 $0xFFFFFFFF;
	p2 =	slt.u32 s8, $0xFFFFF086  }
0x1c: {  	p1 =	slt.u32 s9, $0xF7A;
	s5 =	simm.s32 @!p2 $0x0  }
0x1d: {  	s5 =	simm.s32 @p1 $0x1;
	p0 =	seq.s32 s7, s2  }
0x1e: {  	s7 =	smul.u32 @!p0 $0xF7A, s2;
	p2 =	seq.s32 @!p0 s5, $0x0  }
0x1f: {  	s9 =	smul.u32 $0xF7A, s1;
	s8 =	simm.s32 @!p0 $0x1BF5;
	p2 =	por !p2, p0  }
0x20: {  	[sflag:s8] =	ssyncset.s32 @!p0 $0xFFFFF086;
	s6 =	sadd.s32 @!p0 s3, s7;
	s7 =	simm.s32 @!p0 $0x108  }
0x21: {  	s3 =	sadd.s32 s3, s9;
	s6 =	sadd.s32 @!p0 $0x88, s6;
	s7 =	simm.s32 @p2 $0x1082  }
0x22: {  	[simem:s7], [sflag:s8] =	dma.local @!p0 [hbm:s6], $0xF7A  }
0x23: {  	s9 =	sor.u32 $0xD0000000, s2;
	s6 =	simm.s32 $0x108;
	_ =	swait.ge @!p0 [sflag:s8], $0x0  }
0x24: {  	s3 =	sadd.s32 $0x88, s3;
	s6 =	simm.s32 @!p1 $0x1082;
	[sflag:s4] =	ssyncset.s32 $0xFFFFF086  }
0x25: {  	[simem:s6], [sflag:s4] =	dma.local [hbm:s3], $0xF7A  }
0x26: {  	[smem:$0x3F9E] =	sst s1;
	(tag) =	ssettag s2;
	_ =	strace s9  }
0x27: {  	s1 =	sld [smem:$0x3FAE]  }
0x28: {  	s2 =	sld [smem:$0x3FAF]  }
0x29: {  	s4 =	sld [smem:$0x3FB1]  }
0x2a: {  	p0 =	seq.s32 s5, $0x0;
	s5 =	sld [smem:$0x3FB2]  }
0x2b: {  	s6 =	sld [smem:$0x3FB3]  }
0x2c: {  	s7 =	sld [smem:$0x3FB4]  }
0x2d: {  	s3 =	simm.s32 $0x108;
	s8 =	sld [smem:$0x3FB5]  }
0x2e: {  	s3 =	simm.s32 @!p0 $0x1082;
	s9 =	sld [smem:$0x3FB6]  }
0x2f: {  	lr =	sadd.s32 s0, s3;
	s0 =	sld [smem:$0x3FAD]  }
0x30: {  	s3 =	sld [smem:$0x3FB0]  }
0x31: {  	[smem:$0x3FB9] =	sst s10  }
0x32: {  	s10 =	sld [smem:$0x3FB7];
	_ =	sdelay $0x3  }
0x33: {  	p0 =	seq.s32 s10, $0x1;
	s10 =	sld [smem:$0x3FB9];
	_ =	sdelay $0x3  }
0x34: {  	[smem:$0x3FB9] =	sst s10  }
0x35: {  	s10 =	sld [smem:$0x3FB8];
	_ =	sdelay $0x3  }
0x36: {  	p1 =	seq.s32 s10, $0x1;
	s10 =	sld [smem:$0x3FB9];
	_ =	sdelay $0x3  }
0x37: {  	[smem:$0x3FB9] =	sst s10  }
0x38: {  	s10 =	sld [smem:$0x3FBA]  }
0x39: {  	_ = 	snop;
	(pc) =	sbr.ind lr, $3  }
0x3a: {  	_ = 	snop  }
0x3b: {  	_ = 	snop  }
0x3c: {  	p2 =	seq.s32 s10, $0x1;
	s10 =	sld [smem:$0x3FB9]  }
0x3d: {  	_ =	shalt  }
0x3e: {  	_ =	shalt  }
0x3f: {  	_ =	shalt  }
0x40: {  	_ =	shalt  }
0x41: {  	_ =	shalt  }
0x42: {  	_ =	shalt  }
0x43: {  	_ =	shalt  }
0x44: {  	_ =	shalt  }
0x45: {  	_ =	shalt  }
0x46: {  	_ =	shalt  }
0x47: {  	_ =	shalt  }
0x48: {  	_ =	shalt  }
0x49: {  	_ =	shalt  }
0x4a: {  	_ =	shalt  }
0x4b: {  	_ =	shalt  }
0x4c: {  	_ =	shalt  }
0x4d: {  	_ =	shalt  }
0x4e: {  	_ =	shalt  }
0x4f: {  	_ =	shalt  }
0x50: {  	_ =	shalt  }
0x51: {  	_ =	shalt  }
0x52: {  	_ =	shalt  }
0x53: {  	_ =	shalt  }
0x54: {  	_ =	shalt  }
0x55: {  	_ =	shalt  }
0x56: {  	_ =	shalt  }
0x57: {  	_ =	shalt  }
0x58: {  	_ =	shalt  }
0x59: {  	_ =	shalt  }
0x5a: {  	_ =	shalt  }
0x5b: {  	_ =	shalt  }
0x5c: {  	_ =	shalt  }
0x5d: {  	_ =	shalt  }
0x5e: {  	_ =	shalt  }
0x5f: {  	_ =	shalt  }
0x60: {  	_ =	shalt  }
0x61: {  	_ =	shalt  }
0x62: {  	_ =	shalt  }
0x63: {  	_ =	shalt  }
0x64: {  	_ =	shalt  }
0x65: {  	_ =	shalt  }
0x66: {  	_ =	shalt  }
0x67: {  	_ =	shalt  }
0x68: {  	_ =	shalt  }
0x69: {  	_ =	shalt  }
0x6a: {  	_ =	shalt  }
0x6b: {  	_ =	shalt  }
0x6c: {  	_ =	shalt  }
0x6d: {  	_ =	shalt  }
0x6e: {  	_ =	shalt  }
0x6f: {  	_ =	shalt  }
0x70: {  	_ =	shalt  }
0x71: {  	_ =	shalt  }
0x72: {  	_ =	shalt  }
0x73: {  	_ =	shalt  }
0x74: {  	_ =	shalt  }
0x75: {  	_ =	shalt  }
0x76: {  	_ =	shalt  }
0x77: {  	_ =	shalt  }
0x78: {  	_ =	shalt  }
0x79: {  	_ =	shalt  }
0x7a: {  	_ =	shalt  }
0x7b: {  	_ =	shalt  }
0x7c: {  	_ =	shalt  }
0x7d: {  	_ =	shalt  }
0x7e: {  	_ =	shalt  }
0x7f: {  	_ =	shalt  }
0x80: {  	_ =	shalt  }
0x81: {  	_ =	shalt  }
0x82: {  	_ =	shalt  }
0x83: {  	_ =	shalt  }
0x84: {  	_ =	shalt  }
0x85: {  	_ =	shalt  }
0x86: {  	_ =	shalt  }
0x87: {  	_ =	shalt  }
.Lfunc_end0:
.L_simem_size_0:
called_computation_lowered:
.L_overlay_start_0:
0x88: {  	s2 =	sld [smem:$0x3FD9]  }
0x89: {  	s3 =	sld [smem:$0x3FFE];
	_ =	sdelay $0x1  }
0x8a: {  	s1 =	srdreg.scid  }
0x8b: {  	s0 =	sand.u32 $0x1, s1  }
0x8c: {  	s18 =	sshll.u32 s0, $0xA;
	s2 =	sadd.s32 s3, s2  }
0x8d: {  	s2 =	sadd.s32 s2, s18  }
0x8e: {  	[smem:$0x3FC5] =	sst s2  }
0x8f: {  	_ = 	snop  }
0x90: {  	s2 =	sld [smem:$0x3FC9]  }
0x91: {  	s19 =	sld [smem:$0x3FC8]  }
0x92: {  	s4 =	sld [smem:$0x3FC7]  }
0x93: {  	s5 =	sld [smem:$0x3FD0];
	(tm) =	ssettm $0x1  }
0x94: {  	s6 =	sld [smem:$0x3FFB];
	_ =	sdelay $0x3  }
0x95: {  	_ =	strace s6  }
0x96: {  	s6 =	sld [smem:$0x3FFC];
	_ =	sdelay $0x3  }
0x97: {  	_ =	strace s6  }
0x98: {  	s6 =	sld [smem:$0x3FFD];
	_ =	sdelay $0x3  }
0x99: {  	_ =	strace s6  }
0x9a: {  	_ =	strace $0x8FFFFFFF  }
0x9b: {  	s20 =	sld [smem:$0x3FDB];
	_ =	sdelay $0x1  }
0x9c: {  	s7 =	simm.s32 $_scs_section_size  }
0x9d: {  	s8 =	simm.s32 $_size__tile_overlayer_lowered;
	s9 =	simm.s32 $_tile_overlayer_lowered  }
0x9e: {  	s23 =	simm.s32 $0x1BFF;
	s22 =	sshll.u32 s9, $0x1;
	s6 =	sadd.s32 s7, s20  }
0x9f: {  	s10 =	simm.s32 $0x0;
	s21 =	sshll.u32 s8, $0x1;
	s8 =	sadd.s32 s22, s6  }
0xa0: {  	[timem:s10], [sflag:s23] =	dma.local [hbm:s8], s21  }
0xa1: {  	_ =	swait.ge [sflag:s23], s21  }
0xa2: {  	s7 =	ssub.s32 $0x0, s21;
	[sflag:s23] =	ssyncset.done $0x0  }
0xa3: {  	[sflag:s23] =	ssyncadd.s32 s7;
	_ =	sdelay $0x1  }
0xa4: {  	s24 =	simm.s32 $0x1B8B  }
0xa5: {  	_ =	swait.ge [sflag:s24], $0x1  }
0xa6: {  	[sflag:s24] =	ssyncset.done $0x0  }
0xa7: {  	s25 =	simm.s32 $0x1B8E;
	[sflag:s24] =	ssyncadd.s32 $0xFFFFFFFF  }
0xa8: {  	s26 =	simm.s32 $execute0_lowered;
	[smem:$0x3FD2] =	sst s25  }
0xa9: {  	s7 =	sshll.u32 s26, $0x1;
	_ =	strace $0x80000046;
	[dreg:$0x1] =	wrdreg $0xFFFFFFFF  }
0xaa: {  	s28 =	simm.s32 $_size_execute0_lowered;
	s6 =	sadd.s32 s6, s7;
	[dreg:$0x0] =	wrdreg $0x0  }
0xab: {  	s7 =	sshll.u32 s28, $0x1;
	[dreg:$0x2] =	wrdreg s6  }
0xac: {  	[dreg:$0x3] =	wrdreg s7  }
0xad: {  	[dreg:$0x4] =	wrdreg $0xC0  }
0xae: {  	_ =	task [dreg:s10], $0x5FFFF  }
0xaf: {  	[dreg:$0x1] =	wrdreg $0xFFFFFFFF  }
0xb0: {  	[dreg:$0x0] =	wrdreg $0x60  }
0xb1: {  	[dreg:$0x2] =	wrdreg s2  }
0xb2: {  	[dreg:$0x3] =	wrdreg s19  }
0xb3: {  	[dreg:$0x4] =	wrdreg s4  }
0xb4: {  	[dreg:$0x5] =	wrdreg s5  }
0xb5: {  	[dreg:$0x6] =	wrdreg $0x9  }
0xb6: {  	_ =	task.clear_ibuf [dreg:s10], $0x7FFFF;
	_ =	strace $0x90000046  }
0xb7: {  	s29 =	simm.s32 $0x9;
	_ =	strace $0x80000048  }
0xb8: {  	_ =	swait.ge [sflag:s29], $0x1  }
0xb9: {  	[sflag:s29] =	ssyncadd.s32 $0xFFFFFFFF  }
0xba: {  	_ =	strace $0x90000048  }
0xbb: {  	_ =	sfence  }
0xbc: {  	s30 =	sld [smem:$0x0];
	_ =	sdelay $0x2  }
0xbd: {  	s31 =	sshll.u32 s1, $0xD;
	s1 =	sshrl.u32 s1, $0x2  }
0xbe: {  	s3 =	sand.u32 $0x4000, s31;
	s1 =	sadd.s32 s1, s30  }
0xbf: {  	s0 =	sor.u32 s3, s0;
	s1 =	sshll.u32 s1, $0x11  }
0xc0: {  	s0 =	sor.u32 s1, s0  }
0xc1: {  	s0 =	sadd.s32 $0x8F2B, s0  }
0xc2: {  	[sflag:s0] =	ssyncadd.remote.s32 $0x1  }
0xc3: {  	_ =	sfence.sel $0xFFFF  }
0xc4: {  	[dreg:$0x0] =	wrdreg $0xFFFFFFFF;
	(pc) =	sbr.abs _section_cstart, $3  }
0xc5: {  	[dreg:$0x1] =	wrdreg $0xFFFFFFFF  }
0xc6: {  	_ =	task.clear_ibuf [dreg:s10], $0x2FFFF;
	_ =	strace $0x9FFFFFFF  }
0xc7: {  	(tm) =	ssettm $0x7FFFFFFF  }
tec
execute0_lowered:
.L_overlay_start_1:
0x0: {  	(tag) =	ssettag $0x1  }
0x1: {  	s1 =	rddreg [dreg:$0x0]  }
0x2: {  	s3 =	rddreg [dreg:$0x1]  }
0x3: {  	s4 =	rddreg [dreg:$0x2]  }
0x4: {  	s10 =	rddreg [dreg:$0x3]  }
0x5: {  	s5 =	srdreg.scid;
	s2 =	stileid.u32  }
0x6: {  	s0 =	rddreg [dreg:$0x4];
	s13 =	simm.s32 $0x1AF00;
	s14 =	simm.s32 $0x3  }
0x7: {  	s15 =	simm.s32 $0x1D700;
	s16 =	simm.s32 $0x4;
	s17 =	simm.s32 $0x0  }
0x8: {  	s6 =	sand.u32 $0x1, s5;
	s7 =	sshll.u32 s2, $0x1;
	s5 =	simm.s32 $0x0  }
0x9: {  	s8 =	ssub.s32 $0x2, s6;
	s6 =	sor.u32 s6, s7;
	[smem:$0x7FF] =	sst s5  }
0xa: {  	s30 =	sshrl.u32 s8, $0x1;
	s9 =	smul.u32 $0x280, s6;
	_ =	strace $0x80000047  }
0xb: {  	s31 =	ssub.s32 $0x9E3, s6;
	s12 =	sshll.u32 s6, $0x1;
	s11 =	ssub.s32 s8, s30  }
0xc: {  	s7 =	sshrl.u32 s31, $0x5;
	s10 =	sadd.s32 s10, s12;
	s12 =	simm.s32 $0x18700  }
0xd: {  	s8 =	sadd.s32 s3, s9;
	s9 =	sadd.s32 s4, s9;
	s11 =	smax.u32 s11, $0x1  }
.LBB2_1:
0xe: {  	[tilespmem:s5], [sflag:$0x3] =	stream.linear.gather [hbm4b:s1+s5], $0x18700, $0x38;
	[tilespmem:$0x1D780] =	vst v63  }
0xf: {  	_ = 	snop  }
0x10: {  	[tilespmem:s12], [sflag:$0x1] =	stream.linear.gather [hbm4b:s8+s5], $0x1400, $0x38;
	[tilespmem:$0x1D780] =	vst v63  }
0x11: {  	_ = 	snop  }
0x12: {  	[tilespmem:s13], [sflag:$0x1] =	stream.linear.gather [hbm4b:s9+s5], $0x1400, $0x38;
	[tilespmem:$0x1D780] =	vst v63  }
0x13: {  	_ =	swait.ge [sflag:s14], $0x18700  }
0x14: {  	[sflag:s14] =	ssyncset.done $0x0  }
0x15: {  	v0 =	vimm.f32 $0.0e+00;
	p0 =	por $0x0, $0x0;
	s18 =	simm.s32 $0x0;
	[sflag:s14] =	ssyncadd.s32 $0xFFFE7900  }
.LBB2_3:
0x16: {  	s19 =	sand.u32 $0x1, s18;
	s18 =	sadd.s32 $0x1, s18  }
0x17: {  	[tilespmem:$0x1FEB0] =	vst v0;
	s20 =	simm.s32 $0x1;
	s21 =	sadd.s32 $0x1, s19;
	p1 =	sge.u32 s18, s7  }
0x18: {  	s20 =	simm.s32 @!p0 $0x0;
	_ =	swait.ge [sflag:s21], $0x1400;
	s22 =	sshll.u32 @!p1 s18, $0x5  }
0x19: {  	s20 =	smul.u32 $0x5000, s20;
	[sflag:s21] =	ssyncset.done $0x0;
	s22 =	sor.u32 @!p1 s6, s22  }
0x1a: {  	s19 =	sxor.u32 @!p1 $0x1, s19;
	[sflag:s21] =	ssyncadd.s32 $0xFFFFEC00;
	s22 =	smul.u32 @!p1 $0x280, s22  }
0x1b: {  	s25 =	simm.s32 @!p1 $0x0;
	s23 =	smul.u32 @!p1 $0x1400, s19;
	_ =	swait.ge [sflag:s21], $0x1400  }
0x1c: {  	s20 =	sshrl.u32 s20, $0x2;
	[sflag:s21] =	ssyncset.done $0x0;
	s24 =	sadd.s32 @!p1 s3, s22  }
0x1d: {  	[sflag:s21] =	ssyncadd.s32 $0xFFFFEC00;
	s21 =	sadd.s32 @!p1 $0x1, s19;
	s19 =	sadd.s32 @!p1 $0x18700, s23  }
0x1e: {  	[tilespmem:s19], [sflag:s21] =	stream.linear.gather @!p1 [hbm4b:s24+s25], $0x1400, $0x38;
	[tilespmem:$0x1D780] =	vst v63  }
0x1f: {  	s22 =	sadd.s32 @!p1 s4, s22;
	s23 =	sadd.s32 @!p1 $0x1AF00, s23;
	s19 =	sadd.s32 $0x1B000, s20  }
0x20: {  	[tilespmem:s23], [sflag:s21] =	stream.linear.gather @!p1 [hbm4b:s22+s25], $0x1400, $0x38;
	[tilespmem:$0x1D780] =	vst v63  }
0x21: {  	v34 =	vld [tilespmem:s19+$0x70]  }
0x22: {  	v37 =	vld [tilespmem:s19+$0x60]  }
0x23: {  	v40 =	vld [tilespmem:s19+$0x50]  }
0x24: {  	v32 =	vld [tilespmem:s19+$0x40]  }
0x25: {  	v33 =	vld [tilespmem:s19+$0x30]  }
0x26: {  	v35 =	vld [tilespmem:s19+$0x20]  }
0x27: {  	v36 =	vld [tilespmem:s19+$0x10]  }
0x28: {  	v38 =	vld [tilespmem:s19+$0x0]  }
0x29: {  	v39 =	vld [tilespmem:s19+$0xFFFFFF70]  }
0x2a: {  	v41 =	vld [tilespmem:s19+$0xFFFFFF60]  }
0x2b: {  	v42 =	vld [tilespmem:s19+$0xFFFFFF50]  }
0x2c: {  	v43 =	vld [tilespmem:s19+$0xFFFFFF40]  }
0x2d: {  	s20 =	sadd.s32 $0x18800, s20;
	v44 =	vld [tilespmem:s19+$0xFFFFFF30]  }
0x2e: {  	v0 =	vld [tilespmem:s20+$0x70]  }
0x2f: {  	v1 =	vld [tilespmem:s20+$0xF0]  }
0x30: {  	v2 =	vld [tilespmem:s20+$0x60]  }
0x31: {  	v3 =	vld [tilespmem:s20+$0xE0]  }
0x32: {  	v4 =	vld [tilespmem:s20+$0x50]  }
0x33: {  	v5 =	vld [tilespmem:s20+$0xD0]  }
0x34: {  	v6 =	vld [tilespmem:s20+$0x40]  }
0x35: {  	v7 =	vld [tilespmem:s20+$0xC0]  }
0x36: {  	v8 =	vld [tilespmem:s20+$0x30]  }
0x37: {  	v9 =	vld [tilespmem:s20+$0xB0]  }
0x38: {  	v10 =	vld [tilespmem:s20+$0x20]  }
0x39: {  	v11 =	vld [tilespmem:s20+$0xA0]  }
0x3a: {  	v12 =	vld [tilespmem:s20+$0x10]  }
0x3b: {  	v13 =	vld [tilespmem:s20+$0x90]  }
0x3c: {  	v14 =	vld [tilespmem:s20+$0x0]  }
0x3d: {  	v15 =	vld [tilespmem:s20+$0x80]  }
0x3e: {  	v16 =	vld [tilespmem:s20+$0xFFFFFF70]  }
0x3f: {  	v17 =	vld [tilespmem:s20+$0xFFFFFFF0]  }
0x40: {  	v18 =	vld [tilespmem:s20+$0xFFFFFF60]  }
0x41: {  	v19 =	vld [tilespmem:s20+$0xFFFFFFE0]  }
0x42: {  	v20 =	vld [tilespmem:s20+$0xFFFFFF50]  }
0x43: {  	v21 =	vld [tilespmem:s20+$0xFFFFFFD0]  }
0x44: {  	v22 =	vld [tilespmem:s20+$0xFFFFFF40]  }
0x45: {  	v23 =	vld [tilespmem:s20+$0xFFFFFFC0]  }
0x46: {  	v24 =	vld [tilespmem:s20+$0xFFFFFF30]  }
0x47: {  	v25 =	vld [tilespmem:s20+$0xFFFFFFB0]  }
0x48: {  	v26 =	vld [tilespmem:s20+$0xFFFFFF20]  }
0x49: {  	v27 =	vld [tilespmem:s20+$0xFFFFFFA0]  }
0x4a: {  	v28 =	vld [tilespmem:s20+$0xFFFFFF10]  }
0x4b: {  	v29 =	vld [tilespmem:s20+$0xFFFFFF90]  }
0x4c: {  	v30 =	vld [tilespmem:s20+$0xFFFFFF00]  }
0x4d: {  	v31 =	vld [tilespmem:s20+$0xFFFFFF80]  }
0x4e: {  	v0 =	vld.idx.msk [tilespmem:v0+s5+$0x0], $0xffff  }
0x4f: {  	v1 =	vld.idx.msk [tilespmem:v1+s5+$0x0], $0xffff  }
0x50: {  	v2 =	vld.idx.msk [tilespmem:v2+s5+$0x0], $0xffff  }
0x51: {  	v3 =	vld.idx.msk [tilespmem:v3+s5+$0x0], $0xffff  }
0x52: {  	v4 =	vld.idx.msk [tilespmem:v4+s5+$0x0], $0xffff  }
0x53: {  	v5 =	vld.idx.msk [tilespmem:v5+s5+$0x0], $0xffff  }
0x54: {  	v6 =	vld.idx.msk [tilespmem:v6+s5+$0x0], $0xffff  }
0x55: {  	v7 =	vld.idx.msk [tilespmem:v7+s5+$0x0], $0xffff  }
0x56: {  	v8 =	vld.idx.msk [tilespmem:v8+s5+$0x0], $0xffff  }
0x57: {  	v9 =	vld.idx.msk [tilespmem:v9+s5+$0x0], $0xffff  }
0x58: {  	v10 =	vld.idx.msk [tilespmem:v10+s5+$0x0], $0xffff  }
0x59: {  	v11 =	vld.idx.msk [tilespmem:v11+s5+$0x0], $0xffff  }
0x5a: {  	v12 =	vld.idx.msk [tilespmem:v12+s5+$0x0], $0xffff  }
0x5b: {  	v13 =	vld.idx.msk [tilespmem:v13+s5+$0x0], $0xffff  }
0x5c: {  	v14 =	vld.idx.msk [tilespmem:v14+s5+$0x0], $0xffff  }
0x5d: {  	v15 =	vld.idx.msk [tilespmem:v15+s5+$0x0], $0xffff  }
0x5e: {  	v16 =	vld.idx.msk [tilespmem:v16+s5+$0x0], $0xffff  }
0x5f: {  	v17 =	vld.idx.msk [tilespmem:v17+s5+$0x0], $0xffff  }
0x60: {  	v18 =	vld.idx.msk [tilespmem:v18+s5+$0x0], $0xffff  }
0x61: {  	v19 =	vld.idx.msk [tilespmem:v19+s5+$0x0], $0xffff  }
0x62: {  	v20 =	vld.idx.msk [tilespmem:v20+s5+$0x0], $0xffff  }
0x63: {  	v21 =	vld.idx.msk [tilespmem:v21+s5+$0x0], $0xffff  }
0x64: {  	v22 =	vld.idx.msk [tilespmem:v22+s5+$0x0], $0xffff  }
0x65: {  	v23 =	vld.idx.msk [tilespmem:v23+s5+$0x0], $0xffff  }
0x66: {  	v24 =	vld.idx.msk [tilespmem:v24+s5+$0x0], $0xffff  }
0x67: {  	v25 =	vld.idx.msk [tilespmem:v25+s5+$0x0], $0xffff  }
0x68: {  	v26 =	vld.idx.msk [tilespmem:v26+s5+$0x0], $0xffff;
	[tilespmem:$0x1FEC0] =	vst v37;
	v37 =	vmul.f32 v37, v37  }
0x69: {  	[tilespmem:$0x1FEE0] =	vst v34;
	v34 =	vmul.f32 v34, v34  }
0x6a: {  	[tilespmem:$0x1FED0] =	vst v37  }
0x6b: {  	[tilespmem:$0x1FEF0] =	vst v34  }
0x6c: {  	v27 =	vld.idx.msk [tilespmem:v27+s5+$0x0], $0xffff;
	[tilespmem:$0x1FF00] =	vst v32  }
0x6d: {  	v54 =	vmov v40;
	v34 =	vmul.f32 v40, v40;
	v37 =	vmul.f32 v35, v35;
	v28 =	vld.idx.msk [tilespmem:v28+s5+$0x0], $0xffff;
	[tilespmem:$0x1FF10] =	vst v35  }
0x6e: {  	v40 =	vmul.f32 v33, v33;
	v32 =	vmul.f32 v32, v32;
	[tilespmem:$0x1FF20] =	vst v33;
	v0 =	vsub.bf16 v0, v1  }
0x6f: {  	v1 =	vld.idx.msk [tilespmem:v29+s5+$0x0], $0xffff;
	v29 =	vmul.f32 v36, v36;
	v4 =	vsub.bf16 v4, v5;
	v2 =	vsub.bf16 v2, v3  }
0x70: {  	v5 =	vmul.f32 v38, v38;
	v8 =	vsub.bf16 v8, v9;
	v6 =	vsub.bf16 v6, v7  }
0x71: {  	v9 =	vmul.f32 v39, v39;
	v12 =	vsub.bf16 v12, v13;
	v10 =	vsub.bf16 v10, v11  }
0x72: {  	v11 =	vmul.f32 v41, v41;
	v13 =	vsub.bf16 v16, v17;
	v14 =	vsub.bf16 v14, v15  }
0x73: {  	[tilespmem:$0x1FF30] =	vst v36;
	v15 =	vsub.bf16 v20, v21;
	v21 =	vmul.f32 v42, v42;
	v16 =	vsub.bf16 v18, v19  }
0x74: {  	v17 =	vsub.bf16 v24, v25;
	v18 =	vsub.bf16 v22, v23;
	v3 =	vld.idx.msk [tilespmem:v30+s5+$0x0], $0xffff;
	[tilespmem:$0x1FF40] =	vst v38  }
0x75: {  	v24 =	vmul.f32 v43, v43;
	v7 =	vld.idx.msk [tilespmem:v31+s5+$0x0], $0xffff;
	[tilespmem:$0x1FF70] =	vst v42;
	v42 =	vmul.f32 v44, v44  }
0x76: {  	v20 =	vunpack.i.u.bf16.f32 v4;
	v59 =	vunpack.i.u.bf16.f32 v2;
	v2 =	vunpack.i.l.bf16.f32 v2  }
0x77: {  	v60 =	vunpack.i.u.bf16.f32 v6;
	v6 =	vunpack.i.l.bf16.f32 v6;
	v4 =	vunpack.i.l.bf16.f32 v4  }
0x78: {  	v25 =	vunpack.i.u.bf16.f32 v10;
	v10 =	vunpack.i.l.bf16.f32 v10;
	v30 =	vunpack.i.u.bf16.f32 v14  }
0x79: {  	v14 =	vunpack.i.l.bf16.f32 v14;
	v31 =	vunpack.i.u.bf16.f32 v16;
	v16 =	vunpack.i.l.bf16.f32 v16  }
0x7a: {  	v61 =	vunpack.i.u.bf16.f32 v15;
	v15 =	vunpack.i.l.bf16.f32 v15;
	v2 =	vmul.f32 v2, v2  }
0x7b: {  	v62 =	vunpack.i.u.bf16.f32 v18;
	v22 =	vmul.f32 v59, v59;
	v4 =	vmul.f32 v4, v4  }
0x7c: {  	v18 =	vunpack.i.l.bf16.f32 v18;
	v20 =	vmul.f32 v20, v20;
	v6 =	vmul.f32 v6, v6  }
0x7d: {  	v63 =	vunpack.i.u.bf16.f32 v17;
	v23 =	vmul.f32 v60, v60;
	v10 =	vmul.f32 v10, v10  }
0x7e: {  	[tilespmem:$0x1FF50] =	vst v39;
	v17 =	vunpack.i.l.bf16.f32 v17;
	v39 =	vmul.f32 v25, v25;
	v14 =	vmul.f32 v14, v14  }
0x7f: {  	v19 =	vsub.bf16 v26, v27;
	v30 =	vmul.f32 v30, v30;
	v55 =	vmul.f32 v16, v16  }
0x80: {  	v26 =	vunpack.i.u.bf16.f32 v8;
	v16 =	vmul.f32 v31, v31;
	v15 =	vmul.f32 v15, v15  }
0x81: {  	v8 =	vunpack.i.l.bf16.f32 v8;
	v48 =	vmul.f32 v61, v61;
	v18 =	vmul.f32 v18, v18  }
0x82: {  	v27 =	vunpack.i.u.bf16.f32 v12;
	v49 =	vmul.f32 v62, v62;
	v50 =	vmul.f32 v17, v17  }
0x83: {  	v12 =	vunpack.i.l.bf16.f32 v12;
	v51 =	vmul.f32 v63, v63;
	v8 =	vmul.f32 v8, v8  }
0x84: {  	v26 =	vmul.f32 v26, v26;
	v12 =	vmul.f32 v12, v12  }
0x85: {  	v27 =	vmul.f32 v27, v27;
	v1 =	vsub.bf16 v28, v1;
	v28 =	vunpack.i.u.bf16.f32 v13  }
0x86: {  	[tilespmem:$0x1FF60] =	vst v41;
	v13 =	vunpack.i.l.bf16.f32 v13;
	v25 =	vunpack.i.u.bf16.f32 v19;
	v60 =	vadd.f32 v4, v20  }
0x87: {  	[tilespmem:$0x1FF80] =	vst v43;
	v19 =	vunpack.i.l.bf16.f32 v19;
	v59 =	vadd.f32 v2, v22;
	v45 =	vadd.f32 v14, v30  }
0x88: {  	[tilespmem:$0x1FF90] =	vst v44;
	v44 =	vadd.f32 v18, v49;
	v13 =	vmul.f32 v13, v13;
	v36 =	vmul.f32 v28, v28  }
0x89: {  	v17 =	vld [tilespmem:s19+$0xFFFFFF20];
	v2 =	vmul.f32 v25, v25;
	v28 =	vadd.f32 v6, v23;
	v12 =	vadd.f32 v12, v27  }
0x8a: {  	v3 =	vsub.bf16 v3, v7;
	v7 =	vunpack.i.u.bf16.f32 v0;
	v0 =	vunpack.i.l.bf16.f32 v0  }
0x8b: {  	v41 =	vunpack.i.u.bf16.f32 v1;
	v1 =	vunpack.i.l.bf16.f32 v1;
	v25 =	vadd.f32 v60, v34  }
0x8c: {  	v52 =	vshra.s32 v59, $0x1;
	v0 =	vmul.f32 v0, v0;
	v7 =	vmul.f32 v7, v7  }
0x8d: {  	v49 =	vshra.s32 v60, $0x1;
	v1 =	vmul.f32 v1, v1;
	v4 =	vmul.f32 v41, v41  }
0x8e: {  	v35 =	vadd.f32 v13, v36;
	v41 =	vadd.f32 v15, v48;
	v33 =	vmul.f32 v17, v17  }
0x8f: {  	v34 =	vadd.f32 v12, v29;
	v13 =	vmul.f32 $5.000000000e-01, v59;
	v47 =	vunpack.i.u.bf16.f32 v3  }
0x90: {  	v3 =	vunpack.i.l.bf16.f32 v3;
	v46 =	vadd.f32 v0, v7;
	v7 =	vadd.f32 v8, v26  }
0x91: {  	v0 =	vmul.f32 v19, v19;
	v8 =	vadd.f32 v10, v39;
	v39 =	vadd.f32 v55, v16  }
0x92: {  	v3 =	vmul.f32 v3, v3;
	v55 =	vadd.f32 v50, v51;
	v56 =	vadd.f32 v1, v4  }
0x93: {  	v19 =	vld [tilespmem:s19+$0xFFFFFF10];
	v6 =	vmul.f32 v47, v47;
	v26 =	vadd.f32 v28, v32;
	v38 =	vadd.f32 v35, v9  }
0x94: {  	v10 =	vld [tilespmem:s19+$0xFFFFFF00];
	[tilespmem:$0x1FFA0] =	vst v17;
	v50 =	vshra.s32 v28, $0x1;
	v43 =	vadd.f32 v41, v21;
	v51 =	vshra.s32 v12, $0x1  }
0x95: {  	[tilespmem:$0x1FFE0] =	vst v12;
	v1 =	vmul.f32 $5.000000000e-01, v12;
	v48 =	vadd.f32 v0, v2;
	v0 =	vadd.f32 v44, v24  }
0x96: {  	v18 =	vshra.s32 v35, $0x1;
	v12 =	vshra.s32 v45, $0x1;
	v57 =	vadd.f32 v3, v6;
	[tilespmem:$0x1FFF0] =	vst v8  }
0x97: {  	v4 =	vshra.s32 v44, $0x1;
	v30 =	vadd.f32 v7, v40;
	v31 =	vadd.f32 v8, v37;
	[tilespmem:$0x1FFD0] =	vst v0  }
0x98: {  	v14 =	vshra.s32 v46, $0x1;
	v37 =	vadd.f32 v45, v5;
	v2 =	vmul.f32 $5.000000000e-01, v60;
	[tilespmem:$0x1FFB0] =	vst v19  }
0x99: {  	v40 =	vadd.f32 v39, v11;
	v11 =	vmul.f32 $5.000000000e-01, v28;
	v9 =	vmul.f32 $5.000000000e-01, v7;
	[tilespmem:$0x1FFC0] =	vst v10  }
0x9a: {  	v53 =	vshra.s32 v7, $0x1;
	v15 =	vmul.f32 $5.000000000e-01, v8;
	v5 =	vmul.f32 $5.000000000e-01, v45;
	v27 =	vld [tilespmem:s19+$0xF0]  }
0x9b: {  	v47 =	vmovc v7;
	v62 =	vshra.s32 v8, $0x1;
	v3 =	vmul.f32 $5.000000000e-01, v39;
	v7 =	vmul.f32 $5.000000000e-01, v35;
	v29 =	vld [tilespmem:s19+$0xE0]  }
0x9c: {  	v8 =	vshra.s32 v39, $0x1;
	v0 =	vmul.f32 $5.000000000e-01, v41;
	v61 =	vmul.f32 v19, v19;
	v32 =	vld [tilespmem:s19+$0xD0]  }
0x9d: {  	s21 =	simm.s32 $0x0;
	s22 =	sadd.s32 $0x200, s19;
	v6 =	vshra.s32 v41, $0x1;
	v58 =	vmul.f32 v10, v10;
	v10 =	vmul.f32 $5.000000000e-01, v46;
	v36 =	vld [tilespmem:s19+$0xC0]  }
.LBB2_4:
0x9e: {  	[tilespmem:$0x1FCA0] =	vst v45  }
0x9f: {  	[tilespmem:$0x1FCC0] =	vst v47  }
0xa0: {  	[tilespmem:$0x1FD30] =	vst v60;
	v16 =	vld [tilespmem:s22+$0x70]  }
0xa1: {  	[tilespmem:$0x1FD60] =	vst v59;
	v45 =	vsub.s32 $0x5F3759DF, v52;
	v52 =	vsub.s32 $0x5F3759DF, v18;
	v18 =	vsub.s32 $0x5F3759DF, v6;
	v6 =	vld [tilespmem:s19+$0x80]  }
0xa2: {  	[tilespmem:$0x1FDE0] =	vst v26;
	v63 =	vsub.s32 $0x5F3759DF, v50;
	v50 =	vld [tilespmem:s19+$0xFFFFFFD0]  }
0xa3: {  	v21 =	vmul.f32 $5.000000000e-01, v44;
	v59 =	vld [tilespmem:s22+$0x0];
	[tilespmem:$0x1FCB0] =	vst v40  }
0xa4: {  	v47 =	vsub.s32 $0x5F3759DF, v53;
	v53 =	vsub.s32 $0x5F3759DF, v51;
	v19 =	vld [tilespmem:s19+$0xFFFFFFB0];
	[tilespmem:$0x1FCF0] =	vst v37;
	v40 =	vshra.s32 v55, $0x1  }
0xa5: {  	[tilespmem:$0x1FD20] =	vst v34;
	v20 =	vmul.f32 $5.000000000e-01, v55;
	v22 =	vshra.s32 v48, $0x1;
	v37 =	vsub.s32 $0x5F3759DF, v12;
	v12 =	vld [tilespmem:s19+$0x90]  }
0xa6: {  	[tilespmem:$0x1FD90] =	vst v30;
	v24 =	vmul.f32 $5.000000000e-01, v48;
	v30 =	vsub.s32 $0x5F3759DF, v49;
	v34 =	vsub.s32 $0x5F3759DF, v62;
	v62 =	vld [tilespmem:s19+$0xFFFFFFE0]  }
0xa7: {  	v1 =	vmul.f32 v53, v1;
	v2 =	vmul.f32 v30, v2;
	v60 =	vsub.s32 $0x5F3759DF, v22;
	v22 =	vld [tilespmem:s19+$0xFFFFFFA0];
	[tilespmem:$0x1FDF0] =	vst v36  }
0xa8: {  	v40 =	vsub.s32 $0x5F3759DF, v40;
	v5 =	vmul.f32 v37, v5;
	[tilespmem:$0x1FE30] =	vst v32;
	v32 =	vsub.s32 $0x5F3759DF, v14;
	v14 =	vld [tilespmem:s22+$0x50]  }
0xa9: {  	v24 =	vmul.f32 v60, v24;
	v20 =	vmul.f32 v40, v20;
	[tilespmem:$0x1FE60] =	vst v27;
	v36 =	vsub.s32 $0x5F3759DF, v8;
	v8 =	vld [tilespmem:s22+$0x30]  }
0xaa: {  	v26 =	vshra.s32 v57, $0x1;
	v1 =	vmul.f32 v53, v1;
	v27 =	vmul.f32 $5.000000000e-01, v57;
	[tilespmem:$0x1FE10] =	vst v16;
	v16 =	vld [tilespmem:s19+$0xB0]  }
0xab: {  	v26 =	vsub.s32 $0x5F3759DF, v26;
	v2 =	vmul.f32 v30, v2;
	v10 =	vmul.f32 v32, v10;
	[tilespmem:$0x1FD50] =	vst v12;
	v12 =	vld [tilespmem:s22+$0x40]  }
0xac: {  	v5 =	vmul.f32 v37, v5;
	[tilespmem:$0x1FD10] =	vst v6;
	v6 =	vmul.f32 v63, v11;
	v11 =	vld [tilespmem:s19+$0xFFFFFFF0];
	v1 =	vsub.f32 $1.500890850e+00, v1  }
0xad: {  	v3 =	vmul.f32 v36, v3;
	v2 =	vsub.f32 $1.500890850e+00, v2;
	v17 =	vmul.f32 v32, v10;
	v10 =	vld [tilespmem:s22+$0xFFFFFF70]  }
0xae: {  	s20 =	sadd.s32 $0x200, s20;
	v20 =	vmul.f32 v40, v20;
	v5 =	vsub.f32 $1.500890850e+00, v5;
	v1 =	vmul.f32 v53, v1;
	v53 =	vld [tilespmem:$0x1FF90]  }
0xaf: {  	v27 =	vmul.f32 v26, v27;
	v30 =	vmul.f32 v30, v2;
	v2 =	vld [tilespmem:s20+$0xE0]  }
0xb0: {  	v5 =	vmul.f32 v37, v5;
	v37 =	vld [tilespmem:s20+$0xA0];
	[tilespmem:$0x1FD70] =	vst v12;
	v12 =	vmul.f32 v45, v13  }
0xb1: {  	[tilespmem:$0x1FD40] =	vst v8;
	v8 =	vsub.s32 $0x5F3759DF, v4;
	v4 =	vmul.f32 v34, v15;
	v15 =	vmul.f32 v52, v7;
	v7 =	vld [tilespmem:s22+$0x10]  }
0xb2: {  	v3 =	vmul.f32 v36, v3;
	v20 =	vsub.f32 $1.500890850e+00, v20;
	[tilespmem:$0x1FDD0] =	vst v16;
	v16 =	vld [tilespmem:s22+$0x60];
	v12 =	vmul.f32 v45, v12  }
0xb3: {  	v58 =	vadd.f32 v57, v58;
	v6 =	vmul.f32 v63, v6;
	v27 =	vmul.f32 v26, v27;
	[tilespmem:$0x1FDC0] =	vst v14;
	v14 =	vld [tilespmem:s19+$0xFFFFFFC0]  }
0xb4: {  	[tilespmem:$0x1FDA0] =	vst v54;
	v3 =	vsub.f32 $1.500890850e+00, v3;
	v20 =	vmul.f32 v40, v20;
	v40 =	vld [tilespmem:s20+$0x80];
	v12 =	vsub.f32 $1.500890850e+00, v12  }
0xb5: {  	v57 =	vadd.f32 v57, v57;
	v6 =	vsub.f32 $1.500890850e+00, v6;
	[tilespmem:$0x1FCE0] =	vst v11;
	v11 =	vld [tilespmem:s22+$0x20];
	v54 =	vmul.f32 v8, v21  }
0xb6: {  	[tilespmem:$0x1FE00] =	vst v25;
	v27 =	vsub.f32 $1.500890850e+00, v27;
	v36 =	vmul.f32 v36, v3;
	v3 =	vld [tilespmem:$0x1FFC0];
	v12 =	vmul.f32 v45, v12  }
0xb7: {  	v25 =	vsub.f32 $1.500890850e+00, v17;
	v21 =	vadd.f32 v56, v61;
	v17 =	vmovc v28;
	v28 =	vmul.f32 v60, v24;
	[tilespmem:$0x1FE20] =	vst v16;
	v16 =	vld [tilespmem:s19+$0xA0]  }
0xb8: {  	v61 =	vmov v39;
	v39 =	vld [tilespmem:s22+$0xFFFFFF30];
	[tilespmem:$0x1FDB0] =	vst v12;
	v12 =	vmul.f32 v63, v6;
	v6 =	vmul.f32 v26, v27  }
0xb9: {  	v23 =	vshra.s32 v56, $0x1;
	v9 =	vmul.f32 v47, v9;
	[tilespmem:$0x1FE40] =	vst v29;
	v29 =	vmul.f32 $5.000000000e-01, v56;
	v24 =	vmovc v31;
	v31 =	vld [tilespmem:s19+$0xFFFFFF80]  }
0xba: {  	v25 =	vmul.f32 v32, v25;
	v32 =	vld [tilespmem:s20+$0x70];
	v26 =	vsub.f32 $1.500890850e+00, v28;
	v28 =	vmul.f32 v6, v57  }
0xbb: {  	v49 =	vmovc v38;
	v23 =	vsub.s32 $0x5F3759DF, v23;
	v13 =	vadd.f32 v55, v42;
	v42 =	vadd.f32 v56, v56;
	v56 =	vld [tilespmem:s20+$0x30]  }
0xbc: {  	v38 =	vadd.f32 v55, v55;
	[tilespmem:$0x1FD80] =	vst v16;
	v16 =	vmul.f32 v23, v29;
	v28 =	vmul.f32 v28, v3;
	v3 =	vld [tilespmem:s20+$0xC0]  }
0xbd: {  	v9 =	vmul.f32 v47, v9;
	v55 =	vld [tilespmem:s20+$0xB0]  }
0xbe: {  	v20 =	vmul.f32 v20, v38;
	v38 =	vld [tilespmem:s20+$0x10];
	v16 =	vmul.f32 v23, v16  }
0xbf: {  	v51 =	vmovc v43;
	v0 =	vmul.f32 v18, v0;
	v9 =	vsub.f32 $1.500890850e+00, v9;
	v43 =	vmul.f32 v8, v54;
	v54 =	vld [tilespmem:s22+$0xFFFFFF50]  }
0xc0: {  	v4 =	vmul.f32 v34, v4;
	[tilespmem:$0x1FCD0] =	vst v7;
	v7 =	vadd.f32 v48, v33;
	v33 =	vld [tilespmem:s22+$0xFFFFFF60];
	v16 =	vsub.f32 $1.500890850e+00, v16  }
0xc1: {  	v0 =	vmul.f32 v18, v0;
	v9 =	vmul.f32 v47, v9;
	[tilespmem:$0x1FE50] =	vst v3;
	v3 =	vld [tilespmem:$0x1FFB0]  }
0xc2: {  	v4 =	vsub.f32 $1.500890850e+00, v4;
	v47 =	vsub.f32 $1.500890850e+00, v43;
	v43 =	vld [tilespmem:s20+$0xFFFFFFF0];
	v16 =	vmul.f32 v23, v16  }
0xc3: {  	v15 =	vmul.f32 v52, v15;
	v20 =	vmul.f32 v20, v53;
	[tilespmem:$0x1FD00] =	vst v11;
	v11 =	vmov v35;
	v35 =	vld [tilespmem:s22+$0xFFFFFF40]  }
0xc4: {  	v34 =	vmul.f32 v34, v4;
	v4 =	vld [tilespmem:s20+$0x60];
	v16 =	vmul.f32 v16, v42  }
0xc5: {  	v20 =	vsub.f32 v13, v20;
	v13 =	vld [tilespmem:$0x1FFE0];
	v8 =	vmul.f32 v8, v47;
	v45 =	vadd.f32 v48, v48  }
0xc6: {  	v48 =	vsub.f32 v58, v28;
	v28 =	vadd.f32 v44, v44;
	v16 =	vmul.f32 v16, v3;
	v3 =	vld [tilespmem:$0x1FFA0]  }
0xc7: {  	v29 =	vmov v46;
	v46 =	vld [tilespmem:s19+$0xFFFFFF90];
	v26 =	vmul.f32 v60, v26  }
0xc8: {  	v15 =	vsub.f32 $1.500890850e+00, v15;
	v57 =	vsub.f32 $1.500890850e+00, v0;
	v28 =	vmul.f32 v8, v28;
	v8 =	vld [tilespmem:$0x1FEB0]  }
0xc9: {  	v63 =	vld [tilespmem:s20+$0xF0];
	v26 =	vmul.f32 v26, v45  }
0xca: {  	v27 =	vmul.f32 v52, v15;
	v18 =	vmul.f32 v18, v57;
	v57 =	vld [tilespmem:$0x1FF80]  }
0xcb: {  	v15 =	vld [tilespmem:s20+$0x50];
	v23 =	vmul.f32 v48, v31;
	v16 =	vsub.f32 v21, v16;
	v26 =	vmul.f32 v26, v3  }
0xcc: {  	v3 =	vld [tilespmem:$0x1FFD0]  }
0xcd: {  	v32 =	vld.idx.msk [tilespmem:v32+s5+$0x0], $0xffff;
	v23 =	vadd.f32 v23, v8;
	v16 =	vmul.f32 v16, v46;
	v7 =	vsub.f32 v7, v26  }
0xce: {  	v38 =	vld.idx.msk [tilespmem:v38+s5+$0x0], $0xffff  }
0xcf: {  	v0 =	vld [tilespmem:s20+$0xD0];
	v16 =	vadd.f32 v16, v23;
	v26 =	vmul.f32 v28, v57;
	v7 =	vmul.f32 v7, v22  }
0xd0: {  	v6 =	vld [tilespmem:s20+$0x40]  }
0xd1: {  	v7 =	vadd.f32 v7, v16;
	v16 =	vmul.f32 v20, v19;
	v19 =	vsub.f32 v3, v26;
	v3 =	vld [tilespmem:$0x1FCA0]  }
0xd2: {  	[tilespmem:$0x1FE90] =	vst v35;
	v60 =	vmov v35;
	v35 =	vld [tilespmem:s20+$0xFFFFFF70]  }
0xd3: {  	v45 =	vld [tilespmem:s20+$0x20]  }
0xd4: {  	v20 =	vld [tilespmem:$0x1FF60]  }
0xd5: {  	v58 =	vld [tilespmem:$0x1FF70];
	v28 =	vadd.f32 v61, v61  }
0xd6: {  	v52 =	vadd.f32 v3, v3;
	v3 =	vld [tilespmem:$0x1FCB0]  }
0xd7: {  	v44 =	vld [tilespmem:$0x1FD00];
	v61 =	vmul.f32 v36, v28  }
0xd8: {  	v31 =	vadd.f32 v41, v41;
	v41 =	vld [tilespmem:s20+$0xFFFFFFE0];
	v36 =	vadd.f32 v11, v11  }
0xd9: {  	v7 =	vadd.f32 v16, v7;
	v16 =	vmul.f32 v19, v14;
	v19 =	vld [tilespmem:$0x1FF50];
	v20 =	vmul.f32 v61, v20  }
0xda: {  	v14 =	vld [tilespmem:$0x1FFF0]  }
0xdb: {  	v48 =	vmul.f32 v27, v36;
	v7 =	vadd.f32 v16, v7;
	v16 =	vsub.f32 v3, v20;
	v20 =	vld [tilespmem:$0x1FF40]  }
0xdc: {  	v15 =	vld.idx.msk [tilespmem:v15+s5+$0x0], $0xffff  }
0xdd: {  	[tilespmem:$0x1FEA0] =	vst v39;
	v42 =	vmov v39;
	v39 =	vld [tilespmem:s20+$0x0];
	v18 =	vmul.f32 v18, v31  }
0xde: {  	v8 =	vld [tilespmem:s20+$0x90];
	v19 =	vmul.f32 v48, v19;
	v5 =	vmul.f32 v5, v52  }
0xdf: {  	v18 =	vmul.f32 v18, v58;
	v58 =	vmov v10;
	v48 =	vmov v10;
	v10 =	vld [tilespmem:$0x1FCC0]  }
0xe0: {  	v5 =	vmul.f32 v5, v20;
	v20 =	vadd.f32 v14, v14;
	v14 =	vsub.f32 v49, v19;
	v19 =	vld [tilespmem:$0x1FF30]  }
0xe1: {  	v53 =	vadd.f32 v13, v13;
	v31 =	vld [tilespmem:$0x1FF00];
	v18 =	vsub.f32 v51, v18  }
0xe2: {  	v35 =	vld.idx.msk [tilespmem:v35+s5+$0x0], $0xffff  }
0xe3: {  	v1 =	vmul.f32 v1, v53;
	v13 =	vmul.f32 v18, v50;
	v18 =	vld [tilespmem:s20+$0xFFFFFFD0]  }
0xe4: {  	v50 =	vld [tilespmem:$0x1FDC0]  }
0xe5: {  	v1 =	vmul.f32 v1, v19;
	v19 =	vmul.f32 v34, v20;
	v20 =	vadd.f32 v10, v10;
	v10 =	vld [tilespmem:$0x1FCE0]  }
0xe6: {  	v39 =	vld.idx.msk [tilespmem:v39+s5+$0x0], $0xffff  }
0xe7: {  	v23 =	vld [tilespmem:s20+$0xFFFFFF50]  }
0xe8: {  	v8 =	vld.idx.msk [tilespmem:v8+s5+$0x0], $0xffff;
	v7 =	vadd.f32 v13, v7;
	v13 =	vmul.f32 v16, v62  }
0xe9: {  	v22 =	vld [tilespmem:s20+$0xFFFFFF40]  }
0xea: {  	v7 =	vadd.f32 v13, v7;
	v13 =	vmul.f32 v14, v10;
	v10 =	vld [tilespmem:$0x1FCF0]  }
0xeb: {  	v28 =	vld [tilespmem:$0x1FF20]  }
0xec: {  	v11 =	vld [tilespmem:$0x1FDA0]  }
0xed: {  	v18 =	vld.idx.msk [tilespmem:v18+s5+$0x0], $0xffff  }
0xee: {  	v26 =	vld [tilespmem:s20+$0xFFFFFF30]  }
0xef: {  	v5 =	vsub.f32 v10, v5;
	v10 =	vld [tilespmem:$0x1FD10]  }
0xf0: {  	v27 =	vld [tilespmem:$0x1FF10]  }
0xf1: {  	v36 =	vld [tilespmem:$0x1FED0]  }
0xf2: {  	[tilespmem:$0x1FE70] =	vst v33;
	v61 =	vmov v33;
	v33 =	vld [tilespmem:s20+$0xFFFFFF60]  }
0xf3: {  	v23 =	vld.idx.msk [tilespmem:v23+s5+$0x0], $0xffff  }
0xf4: {  	v7 =	vadd.f32 v13, v7;
	v5 =	vmul.f32 v5, v10;
	v10 =	vld [tilespmem:$0x1FD20]  }
0xf5: {  	v22 =	vld.idx.msk [tilespmem:v22+s5+$0x0], $0xffff  }
0xf6: {  	v5 =	vadd.f32 v5, v7;
	v7 =	vld [tilespmem:$0x1FD50]  }
0xf7: {  	v26 =	vld.idx.msk [tilespmem:v26+s5+$0x0], $0xffff  }
0xf8: {  	v16 =	vld [tilespmem:s20+$0xFFFFFFC0]  }
0xf9: {  	v62 =	vld [tilespmem:$0x1FD40];
	v1 =	vsub.f32 v10, v1  }
0xfa: {  	v33 =	vld.idx.msk [tilespmem:v33+s5+$0x0], $0xffff  }
0xfb: {  	v34 =	vld.idx.msk [tilespmem:v4+s5+$0x0], $0xffff;
	v1 =	vmul.f32 v1, v7  }
0xfc: {  	v4 =	vld [tilespmem:$0x1FDF0]  }
0xfd: {  	v9 =	vmul.f32 v9, v20;
	v1 =	vadd.f32 v1, v5;
	v5 =	vld [tilespmem:$0x1FD80]  }
0xfe: {  	v19 =	vmul.f32 v19, v27;
	v27 =	vld [tilespmem:s20+$0xFFFFFF20]  }
0xff: {  	v9 =	vmul.f32 v9, v28;
	v28 =	vld [tilespmem:s20+$0xFFFFFF10]  }
0x100: {  	v14 =	vld [tilespmem:s20+$0xFFFFFFB0];
	v7 =	vsub.f32 v24, v19  }
0x101: {  	v16 =	vld.idx.msk [tilespmem:v16+s5+$0x0], $0xffff  }
0x102: {  	v5 =	vmul.f32 v7, v5;
	v7 =	vld [tilespmem:$0x1FD90]  }
0x103: {  	v13 =	vld [tilespmem:s20+$0xFFFFFFA0]  }
0x104: {  	v1 =	vadd.f32 v5, v1;
	v5 =	vld [tilespmem:$0x1FDD0]  }
0x105: {  	v10 =	vld [tilespmem:$0x1FD30]  }
0x106: {  	v27 =	vld.idx.msk [tilespmem:v27+s5+$0x0], $0xffff  }
0x107: {  	v28 =	vld.idx.msk [tilespmem:v28+s5+$0x0], $0xffff;
	v7 =	vsub.f32 v7, v9  }
0x108: {  	v20 =	vadd.f32 v17, v17;
	v14 =	vld.idx.msk [tilespmem:v14+s5+$0x0], $0xffff  }
0x109: {  	v5 =	vmul.f32 v7, v5;
	v7 =	vld [tilespmem:$0x1FDE0]  }
0x10a: {  	v12 =	vmul.f32 v12, v20;
	v20 =	vadd.f32 v10, v10;
	v10 =	vld [tilespmem:$0x1FD60]  }
0x10b: {  	v19 =	vld [tilespmem:s20+$0xFFFFFF90]  }
0x10c: {  	v12 =	vmul.f32 v12, v31;
	v13 =	vld.idx.msk [tilespmem:v13+s5+$0x0], $0xffff;
	v20 =	vmul.f32 v30, v20  }
0x10d: {  	v1 =	vadd.f32 v5, v1;
	v5 =	vld [tilespmem:$0x1FE00]  }
0x10e: {  	v20 =	vmul.f32 v20, v11;
	v11 =	vld [tilespmem:$0x1FDB0];
	v7 =	vsub.f32 v7, v12  }
0x10f: {  	v30 =	vadd.f32 v10, v10;
	v36 =	vadd.f32 v10, v36;
	v10 =	vld [tilespmem:$0x1FEC0]  }
0x110: {  	v4 =	vmul.f32 v7, v4;
	v7 =	vld.idx.msk [tilespmem:v2+s5+$0x0], $0xffff  }
0x111: {  	v2 =	vld [tilespmem:$0x1FEF0]  }
0x112: {  	v5 =	vsub.f32 v5, v20;
	v20 =	vld [tilespmem:$0x1FEE0]  }
0x113: {  	[tilespmem:$0x1FE80] =	vst v54;
	v46 =	vmov v54;
	v54 =	vadd.f32 v29, v29;
	v19 =	vld.idx.msk [tilespmem:v19+s5+$0x0], $0xffff  }
0x114: {  	v30 =	vmul.f32 v11, v30;
	v1 =	vadd.f32 v4, v1;
	v4 =	vld [tilespmem:$0x1FE30]  }
0x115: {  	v25 =	vmul.f32 v25, v54;
	v11 =	vld.idx.msk [tilespmem:v40+s5+$0x0], $0xffff  }
0x116: {  	v30 =	vmul.f32 v30, v10;
	v10 =	vld.idx.msk [tilespmem:v41+s5+$0x0], $0xffff  }
0x117: {  	v12 =	vld.idx.msk [tilespmem:v63+s5+$0x0], $0xffff;
	v2 =	vadd.f32 v29, v2;
	v20 =	vmul.f32 v25, v20  }
0x118: {  	v25 =	vld.idx.msk [tilespmem:v0+s5+$0x0], $0xffff  }
0x119: {  	v4 =	vmul.f32 v5, v4;
	v2 =	vsub.f32 v2, v20;
	v20 =	vld.idx.msk [tilespmem:v56+s5+$0x0], $0xffff  }
0x11a: {  	v5 =	vsub.f32 v36, v30;
	v30 =	vld.idx.msk [tilespmem:v55+s5+$0x0], $0xffff  }
0x11b: {  	v0 =	vadd.f32 v4, v1;
	v1 =	vld [tilespmem:$0x1FE40]  }
0x11c: {  	v18 =	vsub.bf16 v23, v18;
	v16 =	vsub.bf16 v22, v16;
	v4 =	vld [tilespmem:$0x1FE50]  }
0x11d: {  	v57 =	vmovc v59;
	v3 =	vmov v59;
	v59 =	vld [tilespmem:$0x1FCD0];
	v14 =	vsub.bf16 v26, v14;
	v13 =	vsub.bf16 v27, v13  }
0x11e: {  	v19 =	vsub.bf16 v28, v19;
	v11 =	vsub.bf16 v39, v11;
	v36 =	vld.idx.msk [tilespmem:v45+s5+$0x0], $0xffff  }
0x11f: {  	v49 =	vmov v62;
	v10 =	vsub.bf16 v33, v10;
	v45 =	vld.idx.msk [tilespmem:v43+s5+$0x0], $0xffff;
	v15 =	vsub.bf16 v15, v25  }
0x120: {  	[tilespmem:$0x1FF20] =	vst v49;
	v49 =	vmul.f32 v62, v49;
	v31 =	vld [tilespmem:s20+$0xFFFFFF00];
	v12 =	vsub.bf16 v32, v12;
	v56 =	vsub.bf16 v34, v7  }
0x121: {  	v9 =	vld [tilespmem:s20+$0xFFFFFF80];
	v20 =	vsub.bf16 v20, v30;
	v62 =	vunpack.i.u.bf16.f32 v15;
	v1 =	vmul.f32 v5, v1  }
0x122: {  	v7 =	vmul.f32 v3, v57;
	v15 =	vunpack.i.l.bf16.f32 v15;
	v23 =	vmul.f32 v62, v62;
	v62 =	vld [tilespmem:s22+$0xFFFFFF20]  }
0x123: {  	v53 =	vmovc v59;
	v15 =	vmul.f32 v15, v15;
	v28 =	vunpack.i.u.bf16.f32 v20;
	v0 =	vadd.f32 v1, v0;
	v1 =	vld [tilespmem:$0x1FE60]  }
0x124: {  	v20 =	vunpack.i.l.bf16.f32 v20;
	v5 =	vld.idx.msk [tilespmem:v4+s5+$0x0], $0xffff;
	v4 =	vmul.f32 v59, v53;
	v59 =	vsub.bf16 v35, v45  }
0x125: {  	v29 =	vld [tilespmem:$0x1FE20];
	v20 =	vmul.f32 v20, v20;
	v45 =	vunpack.i.u.bf16.f32 v11;
	v11 =	vunpack.i.l.bf16.f32 v11  }
0x126: {  	v37 =	vld.idx.msk [tilespmem:v37+s5+$0x0], $0xffff;
	v28 =	vmul.f32 v28, v28;
	v11 =	vmul.f32 v11, v11;
	v34 =	vunpack.i.l.bf16.f32 v59  }
0x127: {  	v6 =	vld.idx.msk [tilespmem:v6+s5+$0x0], $0xffff;
	v52 =	vmovc v44;
	v33 =	vmul.f32 v45, v45;
	v63 =	vunpack.i.u.bf16.f32 v59;
	v34 =	vmul.f32 v34, v34  }
0x128: {  	v17 =	vmovc v50;
	v3 =	vld [tilespmem:$0x1FE70];
	v30 =	vsub.bf16 v38, v8;
	v32 =	vmul.f32 v63, v63;
	v1 =	vmul.f32 v2, v1  }
0x129: {  	v31 =	vld.idx.msk [tilespmem:v31+s5+$0x0], $0xffff;
	v45 =	vadd.f32 v11, v33;
	v33 =	vmul.f32 v62, v62;
	v2 =	vmul.f32 v50, v17  }
0x12a: {  	[tilespmem:$0x1FF10] =	vst v52;
	v24 =	vld [tilespmem:$0x1FE10];
	v54 =	vmovc v29;
	v50 =	vunpack.i.u.bf16.f32 v14;
	v14 =	vunpack.i.l.bf16.f32 v14;
	v0 =	vadd.f32 v1, v0  }
0x12b: {  	v25 =	vld.idx.msk [tilespmem:v9+s5+$0x0], $0xffff;
	v14 =	vmul.f32 v14, v14;
	v38 =	vmul.f32 v50, v50;
	v35 =	vadd.f32 v34, v32  }
0x12c: {  	v63 =	vld [tilespmem:s22+$0xFFFFFF10];
	v1 =	vmul.f32 v44, v52;
	v52 =	vunpack.i.u.bf16.f32 v19;
	[tilespmem:$0x1FEB0] =	vst v0;
	v0 =	vmul.f32 v29, v54  }
0x12d: {  	[tilespmem:$0x1FF50] =	vst v58;
	v29 =	vsub.bf16 v6, v5;
	v6 =	vmul.f32 v48, v58;
	v5 =	vmul.f32 v3, v61  }
0x12e: {  	[tilespmem:$0x1FF60] =	vst v61;
	v61 =	vunpack.i.u.bf16.f32 v12;
	v12 =	vunpack.i.l.bf16.f32 v12;
	v48 =	vunpack.i.u.bf16.f32 v16  }
0x12f: {  	v21 =	vmovc v24;
	[tilespmem:$0x1FEC0] =	vst v54;
	v16 =	vunpack.i.l.bf16.f32 v16;
	v12 =	vmul.f32 v12, v12;
	v22 =	vmul.f32 v61, v61  }
0x130: {  	v54 =	vmovc v17;
	v58 =	vsub.bf16 v36, v37;
	v16 =	vmul.f32 v16, v16;
	v37 =	vmul.f32 v48, v48  }
0x131: {  	v17 =	vsub.bf16 v31, v25;
	v61 =	vmul.f32 v63, v63;
	[tilespmem:$0x1FED0] =	vst v0;
	v0 =	vmul.f32 v24, v21  }
0x132: {  	v51 =	vld [tilespmem:$0x1FD70];
	[tilespmem:$0x1FEE0] =	vst v21;
	v24 =	vunpack.i.u.bf16.f32 v56;
	v21 =	vunpack.i.l.bf16.f32 v56;
	v25 =	vunpack.i.u.bf16.f32 v29  }
0x133: {  	v26 =	vunpack.i.l.bf16.f32 v29;
	v27 =	vunpack.i.u.bf16.f32 v58;
	v29 =	vunpack.i.u.bf16.f32 v30  }
0x134: {  	v30 =	vunpack.i.l.bf16.f32 v30;
	v21 =	vmul.f32 v21, v21;
	v24 =	vmul.f32 v24, v24  }
0x135: {  	v3 =	vld [tilespmem:$0x1FE80];
	v31 =	vunpack.i.l.bf16.f32 v58;
	v26 =	vmul.f32 v26, v26;
	v25 =	vmul.f32 v25, v25  }
0x136: {  	v55 =	vunpack.i.u.bf16.f32 v17;
	v31 =	vmul.f32 v31, v31;
	v27 =	vmul.f32 v27, v27  }
0x137: {  	v47 =	vmovc v51;
	v17 =	vunpack.i.l.bf16.f32 v17;
	v30 =	vmul.f32 v30, v30;
	v29 =	vmul.f32 v29, v29  }
0x138: {  	v19 =	vunpack.i.l.bf16.f32 v19;
	v11 =	vmul.f32 v17, v17;
	[tilespmem:$0x1FEF0] =	vst v0;
	v0 =	vmul.f32 v51, v47  }
0x139: {  	[tilespmem:$0x1FF00] =	vst v47;
	v47 =	vunpack.i.u.bf16.f32 v18;
	v18 =	vunpack.i.l.bf16.f32 v18;
	v51 =	vunpack.i.u.bf16.f32 v13  }
0x13a: {  	[tilespmem:$0x1FF70] =	vst v46;
	v13 =	vunpack.i.l.bf16.f32 v13;
	v8 =	vmul.f32 v3, v46;
	v46 =	vunpack.i.u.bf16.f32 v10  }
0x13b: {  	v10 =	vunpack.i.l.bf16.f32 v10;
	v18 =	vmul.f32 v18, v18;
	v59 =	vadd.f32 v21, v24  }
0x13c: {  	v36 =	vmul.f32 v47, v47;
	v47 =	vadd.f32 v20, v28;
	v28 =	vadd.f32 v26, v25  }
0x13d: {  	v21 =	vadd.f32 v30, v29;
	v20 =	vadd.f32 v31, v27;
	v10 =	vmul.f32 v10, v10  }
0x13e: {  	[tilespmem:$0x1FF30] =	vst v53;
	v3 =	vld [tilespmem:$0x1FE90];
	v53 =	vmul.f32 v46, v46;
	v46 =	vadd.f32 v12, v22;
	v41 =	vadd.f32 v18, v36  }
0x13f: {  	v12 =	vmul.f32 v13, v13;
	v30 =	vadd.f32 v47, v49;
	v26 =	vadd.f32 v28, v0  }
0x140: {  	v13 =	vmul.f32 v51, v51;
	v34 =	vadd.f32 v21, v4;
	v31 =	vadd.f32 v20, v1  }
0x141: {  	[tilespmem:$0x1FFA0] =	vst v62;
	v50 =	vshra.s32 v28, $0x1;
	v62 =	vshra.s32 v20, $0x1;
	v51 =	vshra.s32 v21, $0x1  }
0x142: {  	v24 =	vld [tilespmem:s22+$0xFFFFFF00];
	v1 =	vmul.f32 $5.000000000e-01, v21;
	v18 =	vshra.s32 v35, $0x1;
	v39 =	vadd.f32 v10, v53  }
0x143: {  	v10 =	vmul.f32 v55, v55;
	v55 =	vadd.f32 v14, v38;
	v9 =	vmul.f32 v3, v60;
	v3 =	vld [tilespmem:$0x1FEA0]  }
0x144: {  	v48 =	vadd.f32 v12, v13;
	v14 =	vshra.s32 v46, $0x1;
	v38 =	vadd.f32 v35, v6  }
0x145: {  	v13 =	vmul.f32 $5.000000000e-01, v59;
	v53 =	vshra.s32 v47, $0x1;
	v12 =	vshra.s32 v45, $0x1  }
0x146: {  	[tilespmem:$0x1FF80] =	vst v60;
	v43 =	vadd.f32 v41, v8;
	v6 =	vshra.s32 v41, $0x1;
	v60 =	vadd.f32 v15, v23  }
0x147: {  	[tilespmem:$0x1FF40] =	vst v57;
	v15 =	vmul.f32 v19, v19;
	v19 =	vmul.f32 v52, v52;
	v57 =	vadd.f32 v11, v10  }
0x148: {  	s21 =	sadd.s32 $0x10, s21;
	v58 =	vmul.f32 v24, v24;
	v52 =	vshra.s32 v59, $0x1;
	v44 =	vmul.f32 v3, v42  }
0x149: {  	p1 =	slt.u32 s21, $0x90;
	[tilespmem:$0x1FF90] =	vst v42;
	v10 =	vmul.f32 $5.000000000e-01, v46;
	v40 =	vadd.f32 v39, v5;
	v11 =	vmul.f32 $5.000000000e-01, v28  }
.Ltmp0:
0x14a: {  	[tilespmem:$0x1FFB0] =	vst v63;
	v5 =	vmul.f32 $5.000000000e-01, v45;
	v8 =	vshra.s32 v39, $0x1;
	v42 =	vmovc v44;
	v44 =	vadd.f32 v16, v37;
	(pc) =	sbr.rel @p1 .LBB2_4-.Ltmp0, $4  }
0x14b: {  	v32 =	vld [tilespmem:s22+$0xD0];
	[tilespmem:$0x1FFE0] =	vst v21;
	v56 =	vadd.f32 v15, v19;
	v25 =	vadd.f32 v60, v2;
	v49 =	vshra.s32 v60, $0x1  }
0x14c: {  	v27 =	vld [tilespmem:s22+$0xF0];
	[tilespmem:$0x1FFF0] =	vst v20;
	v2 =	vmul.f32 $5.000000000e-01, v60;
	v15 =	vmul.f32 $5.000000000e-01, v20;
	v0 =	vadd.f32 v44, v9  }
0x14d: {  	s19 =	smov.u32 s22;
	v29 =	vld [tilespmem:s22+$0xE0];
	[tilespmem:$0x1FFC0] =	vst v24;
	v3 =	vmul.f32 $5.000000000e-01, v39;
	v37 =	vadd.f32 v45, v7;
	v7 =	vmul.f32 $5.000000000e-01, v35  }
0x14e: {  	s22 =	sadd.s32 $0x200, s22;
	v36 =	vld [tilespmem:s19+$0xC0];
	v9 =	vmul.f32 $5.000000000e-01, v47;
	v4 =	vshra.s32 v44, $0x1;
	[tilespmem:$0x1FFD0] =	vst v0;
	v0 =	vmul.f32 $5.000000000e-01, v41  }
0x14f: {  	v16 =	vsub.s32 $0x5F3759DF, v52  }
0x150: {  	v17 =	vsub.s32 $0x5F3759DF, v14;
	v49 =	vsub.s32 $0x5F3759DF, v49;
	v50 =	vsub.s32 $0x5F3759DF, v50  }
0x151: {  	v52 =	vsub.s32 $0x5F3759DF, v62;
	v19 =	vsub.s32 $0x5F3759DF, v53;
	v20 =	vshra.s32 v57, $0x1  }
0x152: {  	v21 =	vmul.f32 $5.000000000e-01, v57;
	v22 =	vsub.s32 $0x5F3759DF, v51;
	v63 =	vsub.s32 $0x5F3759DF, v18  }
0x153: {  	v12 =	vsub.s32 $0x5F3759DF, v12;
	v13 =	vmul.f32 v16, v13;
	v10 =	vmul.f32 v17, v10  }
0x154: {  	v24 =	vshra.s32 v56, $0x1;
	v11 =	vmul.f32 v50, v11;
	v2 =	vmul.f32 v49, v2  }
0x155: {  	v8 =	vsub.s32 $0x5F3759DF, v8;
	v15 =	vmul.f32 v52, v15;
	v9 =	vmul.f32 v19, v9  }
0x156: {  	v6 =	vsub.s32 $0x5F3759DF, v6;
	v1 =	vmul.f32 v22, v1;
	v7 =	vmul.f32 v63, v7  }
0x157: {  	v20 =	vsub.s32 $0x5F3759DF, v20;
	v5 =	vmul.f32 v12, v5;
	v3 =	vmul.f32 v8, v3  }
0x158: {  	v18 =	vsub.s32 $0x5F3759DF, v24;
	v24 =	vmul.f32 $5.000000000e-01, v55;
	v0 =	vmul.f32 v6, v0  }
0x159: {  	v21 =	vmul.f32 v20, v21;
	v13 =	vmul.f32 v16, v13  }
0x15a: {  	v10 =	vmul.f32 v17, v10;
	v11 =	vmul.f32 v50, v11  }
0x15b: {  	v2 =	vmul.f32 v49, v2;
	v15 =	vmul.f32 v52, v15  }
0x15c: {  	v9 =	vmul.f32 v19, v9;
	v53 =	vmul.f32 v22, v1  }
0x15d: {  	v7 =	vmul.f32 v63, v7;
	v5 =	vmul.f32 v12, v5  }
0x15e: {  	v3 =	vmul.f32 v8, v3;
	v13 =	vsub.f32 $1.500890850e+00, v13;
	v10 =	vsub.f32 $1.500890850e+00, v10  }
0x15f: {  	v0 =	vmul.f32 v6, v0;
	v11 =	vsub.f32 $1.500890850e+00, v11;
	v23 =	vsub.f32 $1.500890850e+00, v2  }
0x160: {  	v21 =	vmul.f32 v20, v21;
	v15 =	vsub.f32 $1.500890850e+00, v15;
	v9 =	vsub.f32 $1.500890850e+00, v9  }
0x161: {  	v7 =	vsub.f32 $1.500890850e+00, v7;
	v5 =	vsub.f32 $1.500890850e+00, v5;
	v14 =	vmul.f32 v16, v13  }
0x162: {  	v3 =	vsub.f32 $1.500890850e+00, v3;
	v13 =	vmul.f32 v17, v10;
	v2 =	vmul.f32 v50, v11  }
0x163: {  	v62 =	vsub.f32 $1.500890850e+00, v21;
	v1 =	vmul.f32 v49, v23;
	v50 =	vmul.f32 $5.000000000e-01, v56  }
0x164: {  	v10 =	vmul.f32 v52, v15;
	v9 =	vmul.f32 v19, v9;
	v11 =	vsub.f32 $1.500890850e+00, v53  }
0x165: {  	v23 =	vshra.s32 v48, $0x1;
	v15 =	vmul.f32 v20, v62;
	v20 =	vmul.f32 v18, v50  }
0x166: {  	v49 =	vmul.f32 $5.000000000e-01, v48;
	v7 =	vmul.f32 v63, v7;
	v53 =	vadd.f32 v57, v57  }
0x167: {  	v5 =	vmul.f32 v12, v5;
	v17 =	vsub.s32 $0x5F3759DF, v23;
	v52 =	vmul.f32 v18, v20  }
0x168: {  	v63 =	vshra.s32 v55, $0x1;
	v3 =	vmul.f32 v8, v3;
	v19 =	vmul.f32 v17, v49  }
0x169: {  	v49 =	vsub.s32 $0x5F3759DF, v63;
	v12 =	vmul.f32 v15, v53;
	v62 =	vsub.f32 $1.500890850e+00, v52  }
0x16a: {  	v50 =	vmul.f32 v49, v24;
	v52 =	vadd.f32 v56, v61;
	v61 =	vadd.f32 v48, v33;
	v33 =	vld [tilespmem:$0x1FFB0]  }
0x16b: {  	v53 =	vadd.f32 v56, v56;
	v56 =	vadd.f32 v57, v58;
	v57 =	vld [tilespmem:$0x1FFC0];
	v15 =	vmul.f32 v18, v62  }
0x16c: {  	v23 =	vld [tilespmem:$0x1FF40];
	v11 =	vmul.f32 v22, v11;
	v51 =	vmul.f32 v17, v19  }
0x16d: {  	v22 =	vld [tilespmem:$0x1FFE0];
	v8 =	vmul.f32 v49, v50;
	v15 =	vmul.f32 v15, v53  }
0x16e: {  	v4 =	vsub.s32 $0x5F3759DF, v4;
	v24 =	vld [tilespmem:s19+$0xFFFFFF90];
	v16 =	vsub.f32 $1.500890850e+00, v51;
	v51 =	vmul.f32 $5.000000000e-01, v44  }
0x16f: {  	v0 =	vsub.f32 $1.500890850e+00, v0;
	v58 =	vld [tilespmem:s19+$0xFFFFFF80];
	v8 =	vsub.f32 $1.500890850e+00, v8;
	v15 =	vmul.f32 v15, v33  }
0x170: {  	v18 =	vmul.f32 v4, v51;
	v62 =	vadd.f32 v48, v48;
	v48 =	vld [tilespmem:$0x1FFA0];
	v12 =	vmul.f32 v12, v57  }
0x171: {  	v0 =	vmul.f32 v6, v0;
	v16 =	vmul.f32 v17, v16;
	v15 =	vsub.f32 v52, v15;
	v52 =	vld [tilespmem:$0x1FEB0]  }
0x172: {  	v8 =	vmul.f32 v49, v8;
	v49 =	vld [tilespmem:$0x1FF90];
	v18 =	vmul.f32 v4, v18;
	v12 =	vsub.f32 v56, v12  }
0x173: {  	v63 =	vadd.f32 v55, v55;
	v20 =	vadd.f32 v55, v42;
	v50 =	vld [tilespmem:s19+$0xFFFFFFB0];
	v16 =	vmul.f32 v16, v62  }
0x174: {  	v42 =	vadd.f32 v44, v44;
	v44 =	vld [tilespmem:s19+$0xFFFFFFA0];
	v18 =	vsub.f32 $1.500890850e+00, v18;
	v12 =	vmul.f32 v12, v58  }
0x175: {  	v53 =	vld [tilespmem:$0x1FF80];
	v6 =	vmul.f32 v8, v63;
	v16 =	vmul.f32 v16, v48  }
0x176: {  	v63 =	vld [tilespmem:$0x1FFD0];
	v4 =	vmul.f32 v4, v18;
	v15 =	vmul.f32 v15, v24;
	v12 =	vadd.f32 v12, v52  }
0x177: {  	v51 =	vadd.f32 v41, v41;
	v6 =	vmul.f32 v6, v49;
	v58 =	vld [tilespmem:$0x1FF70]  }
0x178: {  	v16 =	vsub.f32 v61, v16;
	v4 =	vmul.f32 v4, v42;
	v12 =	vadd.f32 v15, v12;
	v15 =	vld [tilespmem:$0x1FF60]  }
0x179: {  	v55 =	vld [tilespmem:s19+$0xFFFFFFC0];
	v0 =	vmul.f32 v0, v51;
	v56 =	vadd.f32 v39, v39;
	v6 =	vsub.f32 v20, v6  }
0x17a: {  	v61 =	vld [tilespmem:s19+$0xFFFFFFD0];
	v57 =	vmul.f32 v16, v44;
	v4 =	vmul.f32 v4, v53  }
0x17b: {  	v62 =	vadd.f32 v35, v35;
	v3 =	vmul.f32 v3, v56;
	v20 =	vld [tilespmem:$0x1FF50];
	v6 =	vmul.f32 v6, v50  }
0x17c: {  	v35 =	vld [tilespmem:$0x1FFF0];
	v0 =	vmul.f32 v0, v58;
	v4 =	vsub.f32 v63, v4;
	v12 =	vadd.f32 v57, v12  }
0x17d: {  	v19 =	vadd.f32 v45, v45;
	v7 =	vmul.f32 v7, v62;
	v18 =	vld [tilespmem:s19+$0xFFFFFFE0];
	v3 =	vmul.f32 v3, v15  }
0x17e: {  	v21 =	vld [tilespmem:s19+$0xFFFFFFF0];
	v4 =	vmul.f32 v4, v55;
	v0 =	vsub.f32 v43, v0;
	v6 =	vadd.f32 v6, v12  }
0x17f: {  	v5 =	vmul.f32 v5, v19;
	v15 =	vadd.f32 v22, v22;
	v3 =	vsub.f32 v40, v3;
	v40 =	vld [tilespmem:$0x1FF30]  }
0x180: {  	v45 =	vld [tilespmem:$0x1FF10];
	v7 =	vmul.f32 v7, v20;
	v0 =	vmul.f32 v0, v61;
	v4 =	vadd.f32 v4, v6  }
0x181: {  	v5 =	vmul.f32 v5, v23;
	v33 =	vld [tilespmem:s19+$0x80];
	v24 =	vmul.f32 v11, v15;
	v15 =	vadd.f32 v35, v35  }
0x182: {  	v51 =	vld [tilespmem:$0x1FF20];
	v39 =	vsub.f32 v38, v7;
	v0 =	vadd.f32 v0, v4;
	v3 =	vmul.f32 v3, v18  }
0x183: {  	v42 =	vld [tilespmem:s19+$0x90];
	v44 =	vsub.f32 v37, v5;
	v43 =	vadd.f32 v47, v47;
	v41 =	vmul.f32 v10, v15  }
0x184: {  	v0 =	vadd.f32 v3, v0;
	v3 =	vmul.f32 v39, v21;
	v6 =	vmul.f32 v24, v40  }
0x185: {  	v48 =	vld [tilespmem:s19+$0xA0];
	v47 =	vmul.f32 v9, v43;
	v5 =	vmul.f32 v41, v45  }
0x186: {  	v56 =	vld [tilespmem:$0x1FF00];
	v0 =	vadd.f32 v3, v0;
	v3 =	vmul.f32 v44, v33;
	v50 =	vsub.f32 v34, v6  }
0x187: {  	v49 =	vadd.f32 v28, v28;
	v52 =	vld [tilespmem:s19+$0xB0];
	v55 =	vsub.f32 v31, v5  }
0x188: {  	v6 =	vmul.f32 v47, v51;
	v0 =	vadd.f32 v3, v0;
	v3 =	vmul.f32 v50, v42  }
0x189: {  	v2 =	vmul.f32 v2, v49;
	v53 =	vadd.f32 v60, v60  }
0x18a: {  	v58 =	vsub.f32 v30, v6;
	v0 =	vadd.f32 v3, v0;
	v3 =	vmul.f32 v55, v48  }
0x18b: {  	v62 =	vld [tilespmem:$0x1FEC0];
	v2 =	vmul.f32 v2, v56  }
0x18c: {  	v1 =	vmul.f32 v1, v53;
	v61 =	vld [tilespmem:$0x1FED0];
	v0 =	vadd.f32 v3, v0;
	v3 =	vmul.f32 v58, v52  }
0x18d: {  	v63 =	vld [tilespmem:$0x1FEE0];
	v57 =	vadd.f32 v59, v59  }
0x18e: {  	v1 =	vmul.f32 v1, v54;
	v2 =	vsub.f32 v26, v2;
	v0 =	vadd.f32 v3, v0;
	v3 =	vld [tilespmem:$0x1FEF0]  }
0x18f: {  	v60 =	vadd.f32 v46, v46;
	v5 =	vmul.f32 v14, v57  }
0x190: {  	v2 =	vmul.f32 v2, v36;
	v1 =	vsub.f32 v25, v1  }
0x191: {  	v4 =	vadd.f32 v59, v61;
	v5 =	vmul.f32 v5, v62;
	v6 =	vmul.f32 v13, v60  }
0x192: {  	v1 =	vmul.f32 v1, v32;
	v0 =	vadd.f32 v2, v0  }
0x193: {  	v6 =	vmul.f32 v6, v63;
	v2 =	vsub.f32 v4, v5;
	v3 =	vadd.f32 v46, v3;
	_ =	sdelay $0x1  }
0x194: {  	v0 =	vadd.f32 v1, v0;
	v1 =	vmul.f32 v2, v29;
	v2 =	vsub.f32 v3, v6;
	_ =	sdelay $0x1  }
0x195: {  	v0 =	vadd.f32 v1, v0;
	v1 =	vmul.f32 v2, v27;
	_ =	sdelay $0x1  }
0x196: {  	v0 =	vadd.f32 v1, v0  }
0x197: {  	p1 =	seq.s32 s18, s7  }
.Ltmp1:
0x198: {  	_ = 	snop;
	(pc) =	sbr.rel @!p1 .LBB2_3-.Ltmp1, $2  }
0x199: {  	_ =	sdelay $0x2  }
0x19a: {  	p0 =	por !p0, !p0  }
0x19b: {  	s17 =	sadd.s32 $0x1, s17  }
0x19c: {  	p0 =	sne.s32 s17, s11  }
.Ltmp2:
0x19d: {  	[tilespmem:$0x1D700] =	vst v0;
	(pc) =	sbr.rel @p0 .LBB2_1-.Ltmp2, $4  }
0x19e: {  	[hbm4b:s10+s5] =	stream.linear.scatter [tilespmem:s15], [sflag:$0x4], $0x10, $0x38;
	[tilespmem:$0x1D780] =	vst v63  }
0x19f: {  	_ =	swait.ge [sflag:s16], $0x10  }
0x1a0: {  	[sflag:s16] =	ssyncset.done $0x0  }
0x1a1: {  	[sflag:s16] =	ssyncadd.s32 $0xFFFFFFF0  }
0x1a2: {  	_ =	sfence.sel $0x180000  }
0x1a3: {  	[bflag:$0x0] =	sbarrier.arrive $0xFFFF  }
0x1a4: {  	p0 =	sne.s32 s2, $0x0;
	_ =	strace $0x90000047  }
0x1a5: {  	s0 =	sadd.s32 @!p0 $0x100000, s0;
	[bflag:$0x2] =	sbarrier.arrive $0xFFFF  }
0x1a6: {  	[sflag:s0] =	ssyncadd.tile.s32 @!p0 $0x1;
	_ =	shalt  }
.Lfunc_end2:
_tile_overlayer_lowered:
.L_overlay_start_2:
0x1a7: {  	(tag) =	ssettag $0x2  }
0x1a8: {  	s0 =	rddreg [dreg:$0x0];
	s2 =	stileid.u32  }
0x1a9: {  	s1 =	rddreg [dreg:$0x1];
	p0 =	sne.s32 s2, $0x0  }
0x1aa: {  	s3 =	rddreg [dreg:$0x2];
	[bflag:$0x3] =	sbarrier.arrive $0xFFFF;
	s2 =	simm.s32 @!p0 $0x1C04  }
0x1ab: {  	[timem:s3], [sflag:s2] =	dma.local @!p0 [hbm:s0], s1  }
0x1ac: {  	s0 =	simm.s32 @!p0 $0x4  }
0x1ad: {  	_ =	swait.ge @!p0 [sflag:s0], s1  }
0x1ae: {  	s1 =	ssub.s32 @!p0 $0x0, s1;
	[sflag:s0] =	ssyncset.done @!p0 $0x0  }
0x1af: {  	[sflag:s0] =	ssyncadd.s32 @!p0 s1  }
0x1b0: {  	[bflag:$0x3] =	sbarrier.arrive $0xFFFF  }
0x1b1: {  	_ =	shalt  }

</sc_bundles>
